<compile_context>
chip_gen: v7x
topology: tpu7x:2x2x1
jax: 0.10.2.dev20260603
libtpu: 0.0.44.dev20260713+nightly
codegen_flags: <defaults>
</compile_context>

<pallas_src>
import functools

import jax
import jax.numpy as jnp
from jax import lax
from jax.experimental import pallas as pl
from jax.experimental.pallas import tpu as pltpu
from jax.experimental.pallas import tpu_sc as plsc

N = 10000
E = 320000
H = 128

N_PAD = 10240
CHUNK = 128
NW = 32
NBUF = 2
EDGE_CHUNKS = -(-E // (NW * CHUNK * NBUF)) * NBUF
E_PAD = NW * CHUNK * EDGE_CHUNKS
BCHUNK = 64
BNBUF = 4
B_TOTAL_PAIR = E_PAD // (16 * BCHUNK)
B_N0 = 252
B_N1 = B_TOTAL_PAIR - B_N0
ROWS_PER_TILE = N_PAD // 16


def _degree_body(dst_hbm, ones_hbm, zeros_hbm, out_hbm,
                 didx_bufs, ones_v, cnt_sh, isems, ssems):
    c = lax.axis_index("c")
    s = lax.axis_index("s")
    wid = c * 16 + s

    pltpu.sync_copy(ones_hbm, ones_v)
    r0 = pl.multiple_of(s * ROWS_PER_TILE, CHUNK)
    pltpu.sync_copy(zeros_hbm, cnt_sh.at[pl.ds(r0, ROWS_PER_TILE)])
    plsc.subcore_barrier()

    def edge_body(g, _):
        e0 = pl.multiple_of((wid * EDGE_CHUNKS + g * NBUF) * CHUNK, CHUNK)
        ld = [
            pltpu.async_copy(dst_hbm.at[pl.ds(e0 + b * CHUNK, CHUNK)],
                             didx_bufs[b], isems[b])
            for b in range(NBUF)
        ]
        ss = []
        for b in range(NBUF):
            ld[b].wait()
            ss.append(
                pltpu.async_copy(ones_v, cnt_sh.at[didx_bufs[b]], ssems[b],
                                 add=True))
        for d in ss:
            d.wait()
        return 0

    lax.fori_loop(0, EDGE_CHUNKS // NBUF, edge_body, 0)
    plsc.subcore_barrier()

    pltpu.sync_copy(cnt_sh.at[pl.ds(r0, ROWS_PER_TILE)],
                    out_hbm.at[c, pl.ds(r0, ROWS_PER_TILE)])


@functools.lru_cache(maxsize=None)
def _build_sc_degree():
    mesh = plsc.VectorSubcoreMesh(core_axis_name="c", subcore_axis_name="s")
    return pl.kernel(
        _degree_body,
        out_type=jax.ShapeDtypeStruct((2, N_PAD, H), jnp.float32),
        mesh=mesh,
        scratch_types=[
            [pltpu.VMEM((CHUNK,), jnp.int32)] * NBUF,
            pltpu.VMEM((CHUNK, H), jnp.float32),
            pltpu.VMEM_SHARED((N_PAD, H), jnp.float32),
            [pltpu.SemaphoreType.DMA] * NBUF,
            [pltpu.SemaphoreType.DMA] * NBUF,
        ],
    )


def _sc_degree(dst_p):
    ones = jnp.ones((CHUNK, H), jnp.float32)
    zeros = jnp.zeros((ROWS_PER_TILE, H), jnp.float32)
    return _build_sc_degree()(dst_p, ones, zeros)



def _aggregate_body(src_hbm, dst_hbm, hw2_hbm, zeros_hbm, out_hbm,
                    sidx_bufs, didx_bufs, rows_bufs, agg_sh,
                    isems, gsems, ssems):
    c = lax.axis_index("c")
    s = lax.axis_index("s")
    wid = c * 16 + s

    r0 = pl.multiple_of(s * ROWS_PER_TILE, CHUNK)
    pltpu.sync_copy(zeros_hbm, agg_sh.at[pl.ds(r0, ROWS_PER_TILE)])
    plsc.subcore_barrier()

    base_ck = jnp.where(c == 0, s * B_N0, 16 * B_N0 + s * B_N1)
    n_groups = jnp.where(c == 0, B_N0 // BNBUF, B_N1 // BNBUF)

    def edge_body(g, _):
        e0 = pl.multiple_of((base_ck + g * BNBUF) * BCHUNK, BCHUNK)
        ld = [
            pltpu.async_copy(src_hbm.at[pl.ds(e0 + b * BCHUNK, BCHUNK)],
                             sidx_bufs[b], isems[2 * b])
            for b in range(BNBUF)
        ] + [
            pltpu.async_copy(dst_hbm.at[pl.ds(e0 + b * BCHUNK, BCHUNK)],
                             didx_bufs[b], isems[2 * b + 1])
            for b in range(BNBUF)
        ]
        gs = []
        for b in range(BNBUF):
            ld[b].wait()
            gs.append(
                pltpu.async_copy(hw2_hbm.at[sidx_bufs[b]], rows_bufs[b],
                                 gsems[b]))
        ss = []
        for b in range(BNBUF):
            gs[b].wait()
            ld[BNBUF + b].wait()
            ss.append(
                pltpu.async_copy(rows_bufs[b], agg_sh.at[didx_bufs[b]],
                                 ssems[b], add=True))
        for d in ss:
            d.wait()
        return 0

    lax.fori_loop(0, n_groups, edge_body, 0)
    plsc.subcore_barrier()

    pltpu.sync_copy(agg_sh.at[pl.ds(r0, ROWS_PER_TILE)],
                    out_hbm.at[c, pl.ds(r0, ROWS_PER_TILE)])


@functools.lru_cache(maxsize=None)
def _build_sc_aggregate():
    mesh = plsc.VectorSubcoreMesh(core_axis_name="c", subcore_axis_name="s")
    return pl.kernel(
        _aggregate_body,
        out_type=jax.ShapeDtypeStruct((2, N_PAD, H), jnp.float32),
        mesh=mesh,
        scratch_types=[
            [pltpu.VMEM((BCHUNK,), jnp.int32)] * BNBUF,
            [pltpu.VMEM((BCHUNK,), jnp.int32)] * BNBUF,
            [pltpu.VMEM((BCHUNK, H), jnp.float32)] * BNBUF,
            pltpu.VMEM_SHARED((N_PAD, H), jnp.float32),
            [pltpu.SemaphoreType.DMA] * (2 * BNBUF),
            [pltpu.SemaphoreType.DMA] * BNBUF,
            [pltpu.SemaphoreType.DMA] * BNBUF,
        ],
    )


def _sc_aggregate(src_p, dst_p, hw2_p):
    zeros = jnp.zeros((ROWS_PER_TILE, H), jnp.float32)
    return _build_sc_aggregate()(src_p, dst_p, hw2_p, zeros)



BLK = 1000


def _k1_body(cnt_ref, x_ref, wenc_t_ref, benc_ref, wgcn_t_ref,
             hw2_ref, dinv_ref):
    deg = cnt_ref[0, :, 0:1] + cnt_ref[1, :, 0:1] + 1.0
    dinv = lax.rsqrt(deg)
    h = jnp.dot(x_ref[...], wenc_t_ref[...],
                preferred_element_type=jnp.float32) + benc_ref[...]
    hw = jnp.dot(h, wgcn_t_ref[...], preferred_element_type=jnp.float32)
    hw2_ref[...] = hw * dinv
    dinv_ref[...] = dinv


def _run_k1(cnt, x, wenc_t, benc, wgcn_t):
    return pl.pallas_call(
        _k1_body,
        grid=(N // BLK,),
        in_specs=[
            pl.BlockSpec((2, BLK, 1), lambda i: (0, i, 0)),
            pl.BlockSpec((BLK, H), lambda i: (i, 0)),
            pl.BlockSpec((H, H), lambda i: (0, 0)),
            pl.BlockSpec((1, H), lambda i: (0, 0)),
            pl.BlockSpec((H, H), lambda i: (0, 0)),
        ],
        out_specs=[
            pl.BlockSpec((BLK, H), lambda i: (i, 0)),
            pl.BlockSpec((BLK, 1), lambda i: (i, 0)),
        ],
        out_shape=[
            jax.ShapeDtypeStruct((N, H), jnp.float32),
            jax.ShapeDtypeStruct((N, 1), jnp.float32),
        ],
    )(cnt, x, wenc_t, benc, wgcn_t)



def _k2_body(agg_ref, hw2_ref, dinv_ref, bgcn_ref, wih_t_ref, bih_ref,
             gi_ref):
    a = agg_ref[0] + agg_ref[1] + hw2_ref[...]
    gcn = a * dinv_ref[...] + bgcn_ref[...]
    gi_ref[...] = jnp.dot(gcn, wih_t_ref[...],
                          preferred_element_type=jnp.float32) + bih_ref[...]


def _run_k2(agg, hw2, dinv, bgcn, wih_t, bih):
    return pl.pallas_call(
        _k2_body,
        grid=(N // BLK,),
        in_specs=[
            pl.BlockSpec((2, BLK, H), lambda i: (0, i, 0)),
            pl.BlockSpec((BLK, H), lambda i: (i, 0)),
            pl.BlockSpec((BLK, 1), lambda i: (i, 0)),
            pl.BlockSpec((1, H), lambda i: (0, 0)),
            pl.BlockSpec((H, 3 * H), lambda i: (0, 0)),
            pl.BlockSpec((1, 3 * H), lambda i: (0, 0)),
        ],
        out_specs=pl.BlockSpec((BLK, 3 * H), lambda i: (i, 0)),
        out_shape=jax.ShapeDtypeStruct((N, 3 * H), jnp.float32),
    )(agg, hw2, dinv, bgcn, wih_t, bih)



def _k3_body(gi_ref, whh_t_ref, bhhn_ref, wpol_t_ref, bpol_ref,
             out_ref, hcarry_ref, hbuf_ref):
    pid = pl.program_id(0)

    @pl.when(pid == 0)
    def _():
        hcarry_ref[...] = jnp.zeros((8, H), jnp.float32)

    whh_t = whh_t_ref[...]
    bhhn = bhhn_ref[...]

    def step8(j, hprev):
        i0 = pl.multiple_of(j * 8, 8)
        g8 = gi_ref[pl.ds(i0, 8), :]
        rows = []
        h = hprev
        for b in range(8):
            gh = jnp.dot(h, whh_t, preferred_element_type=jnp.float32)
            g = g8[b:b + 1, :] + gh
            r = jax.nn.sigmoid(g[:, 0:H])
            z = jax.nn.sigmoid(g[:, H:2 * H])
            hn = gh[:, 2 * H:3 * H] + bhhn
            nn_ = jnp.tanh(g8[b:b + 1, 2 * H:3 * H] + hn * r)
            h = nn_ + z * (h - nn_)
            rows.append(h[0:1, :])
        hbuf_ref[pl.ds(i0, 8), :] = jnp.concatenate(rows, axis=0)
        return h

    h0 = hcarry_ref[...]
    hfin = lax.fori_loop(0, BLK // 8, step8, h0)
    hcarry_ref[...] = hfin
    out_ref[...] = jnp.dot(hbuf_ref[...], wpol_t_ref[...],
                           preferred_element_type=jnp.float32) + bpol_ref[...]


def _run_k3(gi, whh_t, bhhn, wpol_t, bpol):
    return pl.pallas_call(
        _k3_body,
        grid=(N // BLK,),
        in_specs=[
            pl.BlockSpec((BLK, 3 * H), lambda i: (i, 0)),
            pl.BlockSpec((H, 3 * H), lambda i: (0, 0)),
            pl.BlockSpec((1, H), lambda i: (0, 0)),
            pl.BlockSpec((H, 1), lambda i: (0, 0)),
            pl.BlockSpec((1, 1), lambda i: (0, 0)),
        ],
        out_specs=pl.BlockSpec((BLK, 1), lambda i: (i, 0)),
        out_shape=jax.ShapeDtypeStruct((N, 1), jnp.float32),
        scratch_shapes=[
            pltpu.VMEM((8, H), jnp.float32),
            pltpu.VMEM((BLK, H), jnp.float32),
        ],
    )(gi, whh_t, bhhn, wpol_t, bpol)



@jax.jit
def kernel(x, edge_index, W_enc, b_enc, W_gcn, b_gcn, W_ih, W_hh, b_ih, b_hh,
           W_pol, b_pol):
    src = edge_index[0]
    dst = edge_index[1]
    pad = E_PAD - E
    src_p = jnp.concatenate([src, jnp.full((pad,), N, jnp.int32)])
    dst_p = jnp.concatenate([dst, jnp.full((pad,), N, jnp.int32)])

    cnt = _sc_degree(dst_p)

    hw2, dinv = _run_k1(cnt[:, :N, :1], x, W_enc.T, b_enc.reshape(1, H),
                        W_gcn.T)

    hw2_p = jnp.concatenate([hw2, jnp.zeros((N_PAD - N, H), jnp.float32)])
    agg = _sc_aggregate(src_p, dst_p, hw2_p)

    bias3 = b_ih + jnp.concatenate(
        [b_hh[0:2 * H], jnp.zeros((H,), jnp.float32)])
    gi = _run_k2(agg[:, :N, :], hw2, dinv, b_gcn.reshape(1, H), W_ih.T,
                 bias3.reshape(1, 3 * H))

    scores = _run_k3(gi, W_hh.T, b_hh[2 * H:3 * H].reshape(1, H), W_pol.T,
                     b_pol.reshape(1, 1))
    return scores[:, 0]

# --- scband reference (transcript-rebuilt; emitter-appended) ---
"""Pipeline reference for scband-py-geo-mind-77214922047691 (READ-ONLY COPY).

The authoritative reference and input builder live on the scoring server;
editing this copy changes nothing except your own understanding.
"""

import jax, jax.numpy as jnp
import numpy as np

N = 10000
E = 320000
D_IN = 128
H = 128

def setup_inputs(seed: int = 0) -> dict:
    key = jax.random.key(seed)
    ks = jax.random.split(key, 12)
    x = jax.random.normal(ks[0], (N, D_IN), dtype=jnp.float32)
    edge_index = jax.random.randint(ks[1], (2, E), 0, N, dtype=jnp.int32)
    W_enc = jax.random.normal(ks[2], (H, D_IN), dtype=jnp.float32) * (1.0 / np.sqrt(D_IN))
    b_enc = jnp.zeros((H,), dtype=jnp.float32)
    W_gcn = jax.random.normal(ks[3], (H, H), dtype=jnp.float32) * (1.0 / np.sqrt(H))
    b_gcn = jnp.zeros((H,), dtype=jnp.float32)
    W_ih = jax.random.normal(ks[4], (3 * H, H), dtype=jnp.float32) * (1.0 / np.sqrt(H))
    W_hh = jax.random.normal(ks[5], (3 * H, H), dtype=jnp.float32) * (1.0 / np.sqrt(H))
    b_ih = jnp.zeros((3 * H,), dtype=jnp.float32)
    b_hh = jnp.zeros((3 * H,), dtype=jnp.float32)
    W_pol = jax.random.normal(ks[6], (1, H), dtype=jnp.float32) * (1.0 / np.sqrt(H))
    b_pol = jnp.zeros((1,), dtype=jnp.float32)
    return {"x": x, "edge_index": edge_index, "W_enc": W_enc, "b_enc": b_enc,
            "W_gcn": W_gcn, "b_gcn": b_gcn, "W_ih": W_ih, "W_hh": W_hh,
            "b_ih": b_ih, "b_hh": b_hh, "W_pol": W_pol, "b_pol": b_pol}

def reference(x, edge_index, W_enc, b_enc, W_gcn, b_gcn, W_ih, W_hh, b_ih, b_hh, W_pol, b_pol):
    n = x.shape[0]
    # encoder Linear
    h = x @ W_enc.T + b_enc
    # GCNConv(hidden, hidden): add self-loops + symmetric normalization
    loop = jnp.arange(n, dtype=edge_index.dtype)
    src = jnp.concatenate([edge_index[0], loop])
    dst = jnp.concatenate([edge_index[1], loop])
    deg = jnp.zeros((n,), dtype=x.dtype).at[dst].add(1.0)
    dinv = jnp.where(deg > 0, 1.0 / jnp.sqrt(deg), 0.0)
    norm = dinv[src] * dinv[dst]
    hw = h @ W_gcn.T
    msgs = hw[src] * norm[:, None]
    h = jnp.zeros((n, hw.shape[1]), dtype=x.dtype).at[dst].add(msgs) + b_gcn
    # GRU integrator: batch_first, input (1, n, H) => scan over n steps, h0 = zeros
    def step(hprev, xt):
        gi = xt @ W_ih.T + b_ih
        gh = hprev @ W_hh.T + b_hh
        i_r, i_z, i_n = jnp.split(gi, 3)
        h_r, h_z, h_n = jnp.split(gh, 3)
        r = jax.nn.sigmoid(i_r + h_r)
        z = jax.nn.sigmoid(i_z + h_z)
        nn_ = jnp.tanh(i_n + r * h_n)
        hnew = (1.0 - z) * nn_ + z * hprev
        return hnew, hnew
    h0 = jnp.zeros((H,), dtype=x.dtype)
    _, h_integ = jax.lax.scan(step, h0, h)
    # policy head
    node_scores = (h_integ @ W_pol.T + b_pol).squeeze(-1)
    return node_scores

if __name__ == "__main__":
    import jax
    _d = setup_inputs()
    print(jax.jit(kernel)(*tuple(_d.values())))

</pallas_src>

<mosaic_0001>
#map = affine_map<(d0, d1) -> (0)>
#map1 = affine_map<(d0, d1) -> (0, 0)>
#map2 = affine_map<(d0, d1) -> (0, 0, 0)>
module attributes {stable_mosaic.version = 14 : i64} {
  func.func @_degree_body(%arg0: i32, %arg1: i32, %arg2: memref<327680xi32, #tpu.memory_space<hbm>>, %arg3: memref<128x128xf32, #tpu.memory_space<hbm>>, %arg4: memref<640x128xf32, #tpu.memory_space<hbm>>, %arg5: memref<2x10240x128xf32, #tpu.memory_space<hbm>>, %arg6: memref<128xi32, #tpu.memory_space<vmem>>, %arg7: memref<128xi32, #tpu.memory_space<vmem>>, %arg8: memref<128x128xf32, #tpu.memory_space<vmem>>, %arg9: memref<10240x128xf32, #tpu.memory_space<vmem_shared>>, %arg10: memref<!tpu.dma_semaphore, #tpu.memory_space<semaphore_mem>>, %arg11: memref<!tpu.dma_semaphore, #tpu.memory_space<semaphore_mem>>, %arg12: memref<!tpu.dma_semaphore, #tpu.memory_space<semaphore_mem>>, %arg13: memref<!tpu.dma_semaphore, #tpu.memory_space<semaphore_mem>>) attributes {dimension_semantics = [#tpu.dimension_semantics<core_parallel>, #tpu.dimension_semantics<subcore_parallel>], iteration_bounds = array<i64: 2, 16>, scalar_prefetch = 0 : i64, scratch_operands = 8 : i64, tpu.core_type = #tpu.core_type<sc_vector_subcore>, window_params = [{transform_indices = #map}, {transform_indices = #map1}, {transform_indices = #map1}, {transform_indices = #map2}]} {
    %mul3A = arith.constant 16 : i32
    %mul3A_0 = arith.muli %arg0, %mul3A : i32
    %add3A = arith.addi %mul3A_0, %arg1 : i32
    "tpu.region"() ({
      %run_scoped3A = tpu.sem_alloc : memref<!tpu.dma_semaphore, #tpu.memory_space<semaphore_mem>>
      tpu.enqueue_dma source(%arg3 : memref<128x128xf32, #tpu.memory_space<hbm>>) target(%arg8 : memref<128x128xf32, #tpu.memory_space<vmem>>) target_semaphore(%run_scoped3A : memref<!tpu.dma_semaphore, #tpu.memory_space<semaphore_mem>>)
      tpu.wait_dma2 semaphore(%run_scoped3A : memref<!tpu.dma_semaphore, #tpu.memory_space<semaphore_mem>>) src(%arg3 : memref<128x128xf32, #tpu.memory_space<hbm>>) dst(%arg8 : memref<128x128xf32, #tpu.memory_space<vmem>>)
      tpu.yield
    }) : () -> ()
    %mul3A_1 = arith.constant 640 : i32
    %mul3A_2 = arith.muli %arg1, %mul3A_1 : i32
    %multiple_of3A = tpu.assume_multiple %mul3A_2, 128 : i32
    "tpu.region"() ({
      %run_scoped3A = tpu.sem_alloc : memref<!tpu.dma_semaphore, #tpu.memory_space<semaphore_mem>>
      %dma_start3A = arith.constant 0 : i32
      %dma_start3A_10 = tpu.memref_slice %arg9[%multiple_of3A, %dma_start3A] : memref<10240x128xf32, #tpu.memory_space<vmem_shared>> -> memref<640x128xf32, #tpu.memory_space<vmem_shared>>
      tpu.enqueue_dma source(%arg4 : memref<640x128xf32, #tpu.memory_space<hbm>>) target(%dma_start3A_10 : memref<640x128xf32, #tpu.memory_space<vmem_shared>>) target_semaphore(%run_scoped3A : memref<!tpu.dma_semaphore, #tpu.memory_space<semaphore_mem>>)
      %dma_wait3A = arith.constant 0 : i32
      %dma_wait3A_11 = tpu.memref_slice %arg9[%multiple_of3A, %dma_wait3A] : memref<10240x128xf32, #tpu.memory_space<vmem_shared>> -> memref<640x128xf32, #tpu.memory_space<vmem_shared>>
      tpu.wait_dma2 semaphore(%run_scoped3A : memref<!tpu.dma_semaphore, #tpu.memory_space<semaphore_mem>>) src(%arg4 : memref<640x128xf32, #tpu.memory_space<hbm>>) dst(%dma_wait3A_11 : memref<640x128xf32, #tpu.memory_space<vmem_shared>>)
      tpu.yield
    }) : () -> ()
    %barrier3A = arith.constant 0 : index
    tpu.barrier barrier_id(%barrier3A)
    %scan3A = arith.constant 0 : i32
    %scan3A_3 = arith.constant 0 : i32
    %scan3A_4 = arith.constant 40 : i32
    %scan3A_5 = arith.addi %scan3A_3, %scan3A_4 : i32
    %scan3A_6 = arith.constant 1 : i32
    %scan3A_7 = scf.for %scan3A_10 = %scan3A_3 to %scan3A_5 step %scan3A_6 iter_args(%scan3A_11 = %scan3A) -> (i32)  : i32 {
      %mul3A_12 = arith.constant 80 : i32
      %mul3A_13 = arith.muli %add3A, %mul3A_12 : i32
      %mul3A_14 = arith.constant 2 : i32
      %mul3A_15 = arith.muli %scan3A_10, %mul3A_14 : i32
      %add3A_16 = arith.addi %mul3A_13, %mul3A_15 : i32
      %mul3A_17 = arith.constant 128 : i32
      %mul3A_18 = arith.muli %add3A_16, %mul3A_17 : i32
      %multiple_of3A_19 = tpu.assume_multiple %mul3A_18, 128 : i32
      %add3A_20 = arith.constant 0 : i32
      %add3A_21 = arith.addi %multiple_of3A_19, %add3A_20 : i32
      %dma_start3A = tpu.memref_slice %arg2[%add3A_21] : memref<327680xi32, #tpu.memory_space<hbm>> -> memref<128xi32, #tpu.memory_space<hbm>>
      %dma_start3A_22 = tpu.memref_slice %arg2[%add3A_21] : memref<327680xi32, #tpu.memory_space<hbm>> -> memref<128xi32, #tpu.memory_space<hbm>>
      tpu.enqueue_dma source(%dma_start3A_22 : memref<128xi32, #tpu.memory_space<hbm>>) target(%arg6 : memref<128xi32, #tpu.memory_space<vmem>>) target_semaphore(%arg10 : memref<!tpu.dma_semaphore, #tpu.memory_space<semaphore_mem>>)
      %add3A_23 = arith.constant 128 : i32
      %add3A_24 = arith.addi %multiple_of3A_19, %add3A_23 : i32
      %dma_start3A_25 = tpu.memref_slice %arg2[%add3A_24] : memref<327680xi32, #tpu.memory_space<hbm>> -> memref<128xi32, #tpu.memory_space<hbm>>
      %dma_start3A_26 = tpu.memref_slice %arg2[%add3A_24] : memref<327680xi32, #tpu.memory_space<hbm>> -> memref<128xi32, #tpu.memory_space<hbm>>
      tpu.enqueue_dma source(%dma_start3A_26 : memref<128xi32, #tpu.memory_space<hbm>>) target(%arg7 : memref<128xi32, #tpu.memory_space<vmem>>) target_semaphore(%arg11 : memref<!tpu.dma_semaphore, #tpu.memory_space<semaphore_mem>>)
      %dma_wait3A = tpu.memref_slice %arg2[%add3A_21] : memref<327680xi32, #tpu.memory_space<hbm>> -> memref<128xi32, #tpu.memory_space<hbm>>
      %dma_wait3A_27 = tpu.memref_slice %arg2[%add3A_21] : memref<327680xi32, #tpu.memory_space<hbm>> -> memref<128xi32, #tpu.memory_space<hbm>>
      tpu.wait_dma2 semaphore(%arg10 : memref<!tpu.dma_semaphore, #tpu.memory_space<semaphore_mem>>) src(%dma_wait3A_27 : memref<128xi32, #tpu.memory_space<hbm>>) dst(%arg6 : memref<128xi32, #tpu.memory_space<vmem>>)
      %dma_start3A_28 = arith.constant 0 : i32
      %dma_start3A_29 = arith.constant 0 : i32
      %dma_start3A_30 = tpu.memref_slice %arg9[%dma_start3A_28, %dma_start3A_29] : memref<10240x128xf32, #tpu.memory_space<vmem_shared>> -> memref<10240x128xf32, #tpu.memory_space<vmem_shared>>
      tpu.enqueue_indirect_dma source(%arg8 : memref<128x128xf32, #tpu.memory_space<vmem>>) target(%dma_start3A_30 : memref<10240x128xf32, #tpu.memory_space<vmem_shared>>) offsets(%arg6 : memref<128xi32, #tpu.memory_space<vmem>>) semaphore(%arg12 : memref<!tpu.dma_semaphore, #tpu.memory_space<semaphore_mem>>) {add = true}
      %dma_wait3A_31 = tpu.memref_slice %arg2[%add3A_24] : memref<327680xi32, #tpu.memory_space<hbm>> -> memref<128xi32, #tpu.memory_space<hbm>>
      %dma_wait3A_32 = tpu.memref_slice %arg2[%add3A_24] : memref<327680xi32, #tpu.memory_space<hbm>> -> memref<128xi32, #tpu.memory_space<hbm>>
      tpu.wait_dma2 semaphore(%arg11 : memref<!tpu.dma_semaphore, #tpu.memory_space<semaphore_mem>>) src(%dma_wait3A_32 : memref<128xi32, #tpu.memory_space<hbm>>) dst(%arg7 : memref<128xi32, #tpu.memory_space<vmem>>)
      %dma_start3A_33 = arith.constant 0 : i32
      %dma_start3A_34 = arith.constant 0 : i32
      %dma_start3A_35 = tpu.memref_slice %arg9[%dma_start3A_33, %dma_start3A_34] : memref<10240x128xf32, #tpu.memory_space<vmem_shared>> -> memref<10240x128xf32, #tpu.memory_space<vmem_shared>>
      tpu.enqueue_indirect_dma source(%arg8 : memref<128x128xf32, #tpu.memory_space<vmem>>) target(%dma_start3A_35 : memref<10240x128xf32, #tpu.memory_space<vmem_shared>>) offsets(%arg7 : memref<128xi32, #tpu.memory_space<vmem>>) semaphore(%arg13 : memref<!tpu.dma_semaphore, #tpu.memory_space<semaphore_mem>>) {add = true}
      %dma_wait3A_36 = arith.constant 0 : i32
      %dma_wait3A_37 = arith.constant 0 : i32
      %dma_wait3A_38 = tpu.memref_slice %arg9[%dma_wait3A_36, %dma_wait3A_37] : memref<10240x128xf32, #tpu.memory_space<vmem_shared>> -> memref<10240x128xf32, #tpu.memory_space<vmem_shared>>
      tpu.wait_indirect_dma semaphore(%arg12 : memref<!tpu.dma_semaphore, #tpu.memory_space<semaphore_mem>>) src(%arg8 : memref<128x128xf32, #tpu.memory_space<vmem>>) dst(%dma_wait3A_38 : memref<10240x128xf32, #tpu.memory_space<vmem_shared>>)
      %dma_wait3A_39 = arith.constant 0 : i32
      %dma_wait3A_40 = arith.constant 0 : i32
      %dma_wait3A_41 = tpu.memref_slice %arg9[%dma_wait3A_39, %dma_wait3A_40] : memref<10240x128xf32, #tpu.memory_space<vmem_shared>> -> memref<10240x128xf32, #tpu.memory_space<vmem_shared>>
      tpu.wait_indirect_dma semaphore(%arg13 : memref<!tpu.dma_semaphore, #tpu.memory_space<semaphore_mem>>) src(%arg8 : memref<128x128xf32, #tpu.memory_space<vmem>>) dst(%dma_wait3A_41 : memref<10240x128xf32, #tpu.memory_space<vmem_shared>>)
      %scan3A_42 = arith.constant 0 : i32
      scf.yield %scan3A_42 : i32
    }
    %scan3A_8 = arith.constant 40 : i32
    %barrier3A_9 = arith.constant 0 : index
    tpu.barrier barrier_id(%barrier3A_9)
    "tpu.region"() ({
      %run_scoped3A = tpu.sem_alloc : memref<!tpu.dma_semaphore, #tpu.memory_space<semaphore_mem>>
      %dma_start3A = arith.constant 0 : i32
      %dma_start3A_10 = tpu.memref_slice %arg5[%arg0, %multiple_of3A, %dma_start3A] : memref<2x10240x128xf32, #tpu.memory_space<hbm>> -> memref<1x640x128xf32, #tpu.memory_space<hbm>>
      %dma_start3A_11 = tpu.memref_squeeze %dma_start3A_10 : memref<1x640x128xf32, #tpu.memory_space<hbm>> -> memref<640x128xf32, #tpu.memory_space<hbm>>
      %dma_start3A_12 = arith.constant 0 : i32
      %dma_start3A_13 = tpu.memref_slice %arg9[%multiple_of3A, %dma_start3A_12] : memref<10240x128xf32, #tpu.memory_space<vmem_shared>> -> memref<640x128xf32, #tpu.memory_space<vmem_shared>>
      tpu.enqueue_dma source(%dma_start3A_13 : memref<640x128xf32, #tpu.memory_space<vmem_shared>>) target(%dma_start3A_11 : memref<640x128xf32, #tpu.memory_space<hbm>>) target_semaphore(%run_scoped3A : memref<!tpu.dma_semaphore, #tpu.memory_space<semaphore_mem>>)
      %dma_wait3A = arith.constant 0 : i32
      %dma_wait3A_14 = tpu.memref_slice %arg5[%arg0, %multiple_of3A, %dma_wait3A] : memref<2x10240x128xf32, #tpu.memory_space<hbm>> -> memref<1x640x128xf32, #tpu.memory_space<hbm>>
      %dma_wait3A_15 = tpu.memref_squeeze %dma_wait3A_14 : memref<1x640x128xf32, #tpu.memory_space<hbm>> -> memref<640x128xf32, #tpu.memory_space<hbm>>
      %dma_wait3A_16 = arith.constant 0 : i32
      %dma_wait3A_17 = tpu.memref_slice %arg9[%multiple_of3A, %dma_wait3A_16] : memref<10240x128xf32, #tpu.memory_space<vmem_shared>> -> memref<640x128xf32, #tpu.memory_space<vmem_shared>>
      tpu.wait_dma2 semaphore(%run_scoped3A : memref<!tpu.dma_semaphore, #tpu.memory_space<semaphore_mem>>) src(%dma_wait3A_17 : memref<640x128xf32, #tpu.memory_space<vmem_shared>>) dst(%dma_wait3A_15 : memref<640x128xf32, #tpu.memory_space<hbm>>)
      tpu.yield
    }) : () -> ()
    return
  }
}

#map = affine_map<(d0, d1) -> (0)>
#map1 = affine_map<(d0, d1) -> (0, 0)>
#map2 = affine_map<(d0, d1) -> (0, 0, 0)>
module attributes {stable_mosaic.version = 14 : i64} {
  func.func @_aggregate_body(%arg0: i32, %arg1: i32, %arg2: memref<327680xi32, #tpu.memory_space<hbm>>, %arg3: memref<327680xi32, #tpu.memory_space<hbm>>, %arg4: memref<10240x128xf32, #tpu.memory_space<hbm>>, %arg5: memref<640x128xf32, #tpu.memory_space<hbm>>, %arg6: memref<2x10240x128xf32, #tpu.memory_space<hbm>>, %arg7: memref<64xi32, #tpu.memory_space<vmem>>, %arg8: memref<64xi32, #tpu.memory_space<vmem>>, %arg9: memref<64xi32, #tpu.memory_space<vmem>>, %arg10: memref<64xi32, #tpu.memory_space<vmem>>, %arg11: memref<64xi32, #tpu.memory_space<vmem>>, %arg12: memref<64xi32, #tpu.memory_space<vmem>>, %arg13: memref<64xi32, #tpu.memory_space<vmem>>, %arg14: memref<64xi32, #tpu.memory_space<vmem>>, %arg15: memref<64x128xf32, #tpu.memory_space<vmem>>, %arg16: memref<64x128xf32, #tpu.memory_space<vmem>>, %arg17: memref<64x128xf32, #tpu.memory_space<vmem>>, %arg18: memref<64x128xf32, #tpu.memory_space<vmem>>, %arg19: memref<10240x128xf32, #tpu.memory_space<vmem_shared>>, %arg20: memref<!tpu.dma_semaphore, #tpu.memory_space<semaphore_mem>>, %arg21: memref<!tpu.dma_semaphore, #tpu.memory_space<semaphore_mem>>, %arg22: memref<!tpu.dma_semaphore, #tpu.memory_space<semaphore_mem>>, %arg23: memref<!tpu.dma_semaphore, #tpu.memory_space<semaphore_mem>>, %arg24: memref<!tpu.dma_semaphore, #tpu.memory_space<semaphore_mem>>, %arg25: memref<!tpu.dma_semaphore, #tpu.memory_space<semaphore_mem>>, %arg26: memref<!tpu.dma_semaphore, #tpu.memory_space<semaphore_mem>>, %arg27: memref<!tpu.dma_semaphore, #tpu.memory_space<semaphore_mem>>, %arg28: memref<!tpu.dma_semaphore, #tpu.memory_space<semaphore_mem>>, %arg29: memref<!tpu.dma_semaphore, #tpu.memory_space<semaphore_mem>>, %arg30: memref<!tpu.dma_semaphore, #tpu.memory_space<semaphore_mem>>, %arg31: memref<!tpu.dma_semaphore, #tpu.memory_space<semaphore_mem>>, %arg32: memref<!tpu.dma_semaphore, #tpu.memory_space<semaphore_mem>>, %arg33: memref<!tpu.dma_semaphore, #tpu.memory_space<semaphore_mem>>, %arg34: memref<!tpu.dma_semaphore, #tpu.memory_space<semaphore_mem>>, %arg35: memref<!tpu.dma_semaphore, #tpu.memory_space<semaphore_mem>>) attributes {dimension_semantics = [#tpu.dimension_semantics<core_parallel>, #tpu.dimension_semantics<subcore_parallel>], iteration_bounds = array<i64: 2, 16>, scalar_prefetch = 0 : i64, scratch_operands = 29 : i64, tpu.core_type = #tpu.core_type<sc_vector_subcore>, window_params = [{transform_indices = #map}, {transform_indices = #map}, {transform_indices = #map1}, {transform_indices = #map1}, {transform_indices = #map2}]} {
    %mul3A = arith.constant 16 : i32
    %mul3A_0 = arith.muli %arg0, %mul3A : i32
    %add3A = arith.addi %mul3A_0, %arg1 : i32
    %mul3A_1 = arith.constant 640 : i32
    %mul3A_2 = arith.muli %arg1, %mul3A_1 : i32
    %multiple_of3A = tpu.assume_multiple %mul3A_2, 128 : i32
    "tpu.region"() ({
      %run_scoped3A = tpu.sem_alloc : memref<!tpu.dma_semaphore, #tpu.memory_space<semaphore_mem>>
      %dma_start3A = arith.constant 0 : i32
      %dma_start3A_26 = tpu.memref_slice %arg19[%multiple_of3A, %dma_start3A] : memref<10240x128xf32, #tpu.memory_space<vmem_shared>> -> memref<640x128xf32, #tpu.memory_space<vmem_shared>>
      tpu.enqueue_dma source(%arg5 : memref<640x128xf32, #tpu.memory_space<hbm>>) target(%dma_start3A_26 : memref<640x128xf32, #tpu.memory_space<vmem_shared>>) target_semaphore(%run_scoped3A : memref<!tpu.dma_semaphore, #tpu.memory_space<semaphore_mem>>)
      %dma_wait3A = arith.constant 0 : i32
      %dma_wait3A_27 = tpu.memref_slice %arg19[%multiple_of3A, %dma_wait3A] : memref<10240x128xf32, #tpu.memory_space<vmem_shared>> -> memref<640x128xf32, #tpu.memory_space<vmem_shared>>
      tpu.wait_dma2 semaphore(%run_scoped3A : memref<!tpu.dma_semaphore, #tpu.memory_space<semaphore_mem>>) src(%arg5 : memref<640x128xf32, #tpu.memory_space<hbm>>) dst(%dma_wait3A_27 : memref<640x128xf32, #tpu.memory_space<vmem_shared>>)
      tpu.yield
    }) : () -> ()
    %barrier3A = arith.constant 0 : index
    tpu.barrier barrier_id(%barrier3A)
    %eq3A = arith.constant 0 : i32
    %eq3A_3 = arith.cmpi eq, %arg0, %eq3A : i32
    %mul3A_4 = arith.constant 252 : i32
    %mul3A_5 = arith.muli %arg1, %mul3A_4 : i32
    %mul3A_6 = arith.constant 68 : i32
    %mul3A_7 = arith.muli %arg1, %mul3A_6 : i32
    %add3A_8 = arith.constant 4032 : i32
    %add3A_9 = arith.addi %add3A_8, %mul3A_7 : i32
    %select_n3A = arith.select %eq3A_3, %mul3A_5, %add3A_9 : i32
    %eq3A_10 = arith.constant 0 : i32
    %eq3A_11 = arith.cmpi eq, %arg0, %eq3A_10 : i32
    %jit3A = arith.constant 63 : i32
    %jit3A_12 = arith.constant 17 : i32
    %select_n3A_13 = arith.select %eq3A_11, %jit3A, %jit3A_12 : i32
    %while3A = arith.constant 0 : i32
    %while3A_14 = arith.constant 0 : i32
    %while3A_15 = arith.subi %select_n3A_13, %while3A : i32
    %while3A_16 = arith.addi %while3A, %while3A_15 : i32
    %while3A_17 = arith.constant 1 : i32
    %while3A_18 = arith.divsi %while3A_15, %while3A_17 : i32
    %while3A_19 = arith.muli %while3A_18, %while3A_17 : i32
    %while3A_20 = arith.addi %while3A, %while3A_19 : i32
    %while3A_21 = arith.constant 1 : i32
    %while3A_22 = scf.for %while3A_26 = %while3A to %while3A_20 step %while3A_21 iter_args(%while3A_27 = %while3A_14) -> (i32)  : i32 {
      %mul3A_28 = arith.constant 4 : i32
      %mul3A_29 = arith.muli %while3A_26, %mul3A_28 : i32
      %add3A_30 = arith.addi %select_n3A, %mul3A_29 : i32
      %mul3A_31 = arith.constant 64 : i32
      %mul3A_32 = arith.muli %add3A_30, %mul3A_31 : i32
      %multiple_of3A_33 = tpu.assume_multiple %mul3A_32, 64 : i32
      %add3A_34 = arith.constant 0 : i32
      %add3A_35 = arith.addi %multiple_of3A_33, %add3A_34 : i32
      %dma_start3A = tpu.memref_slice %arg2[%add3A_35] : memref<327680xi32, #tpu.memory_space<hbm>> -> memref<64xi32, #tpu.memory_space<hbm>>
      %dma_start3A_36 = tpu.memref_slice %arg2[%add3A_35] : memref<327680xi32, #tpu.memory_space<hbm>> -> memref<64xi32, #tpu.memory_space<hbm>>
      tpu.enqueue_dma source(%dma_start3A_36 : memref<64xi32, #tpu.memory_space<hbm>>) target(%arg7 : memref<64xi32, #tpu.memory_space<vmem>>) target_semaphore(%arg20 : memref<!tpu.dma_semaphore, #tpu.memory_space<semaphore_mem>>)
      %add3A_37 = arith.constant 64 : i32
      %add3A_38 = arith.addi %multiple_of3A_33, %add3A_37 : i32
      %dma_start3A_39 = tpu.memref_slice %arg2[%add3A_38] : memref<327680xi32, #tpu.memory_space<hbm>> -> memref<64xi32, #tpu.memory_space<hbm>>
      %dma_start3A_40 = tpu.memref_slice %arg2[%add3A_38] : memref<327680xi32, #tpu.memory_space<hbm>> -> memref<64xi32, #tpu.memory_space<hbm>>
      tpu.enqueue_dma source(%dma_start3A_40 : memref<64xi32, #tpu.memory_space<hbm>>) target(%arg8 : memref<64xi32, #tpu.memory_space<vmem>>) target_semaphore(%arg22 : memref<!tpu.dma_semaphore, #tpu.memory_space<semaphore_mem>>)
      %add3A_41 = arith.constant 128 : i32
      %add3A_42 = arith.addi %multiple_of3A_33, %add3A_41 : i32
      %dma_start3A_43 = tpu.memref_slice %arg2[%add3A_42] : memref<327680xi32, #tpu.memory_space<hbm>> -> memref<64xi32, #tpu.memory_space<hbm>>
      %dma_start3A_44 = tpu.memref_slice %arg2[%add3A_42] : memref<327680xi32, #tpu.memory_space<hbm>> -> memref<64xi32, #tpu.memory_space<hbm>>
      tpu.enqueue_dma source(%dma_start3A_44 : memref<64xi32, #tpu.memory_space<hbm>>) target(%arg9 : memref<64xi32, #tpu.memory_space<vmem>>) target_semaphore(%arg24 : memref<!tpu.dma_semaphore, #tpu.memory_space<semaphore_mem>>)
      %add3A_45 = arith.constant 192 : i32
      %add3A_46 = arith.addi %multiple_of3A_33, %add3A_45 : i32
      %dma_start3A_47 = tpu.memref_slice %arg2[%add3A_46] : memref<327680xi32, #tpu.memory_space<hbm>> -> memref<64xi32, #tpu.memory_space<hbm>>
      %dma_start3A_48 = tpu.memref_slice %arg2[%add3A_46] : memref<327680xi32, #tpu.memory_space<hbm>> -> memref<64xi32, #tpu.memory_space<hbm>>
      tpu.enqueue_dma source(%dma_start3A_48 : memref<64xi32, #tpu.memory_space<hbm>>) target(%arg10 : memref<64xi32, #tpu.memory_space<vmem>>) target_semaphore(%arg26 : memref<!tpu.dma_semaphore, #tpu.memory_space<semaphore_mem>>)
      %add3A_49 = arith.constant 0 : i32
      %add3A_50 = arith.addi %multiple_of3A_33, %add3A_49 : i32
      %dma_start3A_51 = tpu.memref_slice %arg3[%add3A_50] : memref<327680xi32, #tpu.memory_space<hbm>> -> memref<64xi32, #tpu.memory_space<hbm>>
      %dma_start3A_52 = tpu.memref_slice %arg3[%add3A_50] : memref<327680xi32, #tpu.memory_space<hbm>> -> memref<64xi32, #tpu.memory_space<hbm>>
      tpu.enqueue_dma source(%dma_start3A_52 : memref<64xi32, #tpu.memory_space<hbm>>) target(%arg11 : memref<64xi32, #tpu.memory_space<vmem>>) target_semaphore(%arg21 : memref<!tpu.dma_semaphore, #tpu.memory_space<semaphore_mem>>)
      %add3A_53 = arith.constant 64 : i32
      %add3A_54 = arith.addi %multiple_of3A_33, %add3A_53 : i32
      %dma_start3A_55 = tpu.memref_slice %arg3[%add3A_54] : memref<327680xi32, #tpu.memory_space<hbm>> -> memref<64xi32, #tpu.memory_space<hbm>>
      %dma_start3A_56 = tpu.memref_slice %arg3[%add3A_54] : memref<327680xi32, #tpu.memory_space<hbm>> -> memref<64xi32, #tpu.memory_space<hbm>>
      tpu.enqueue_dma source(%dma_start3A_56 : memref<64xi32, #tpu.memory_space<hbm>>) target(%arg12 : memref<64xi32, #tpu.memory_space<vmem>>) target_semaphore(%arg23 : memref<!tpu.dma_semaphore, #tpu.memory_space<semaphore_mem>>)
      %add3A_57 = arith.constant 128 : i32
      %add3A_58 = arith.addi %multiple_of3A_33, %add3A_57 : i32
      %dma_start3A_59 = tpu.memref_slice %arg3[%add3A_58] : memref<327680xi32, #tpu.memory_space<hbm>> -> memref<64xi32, #tpu.memory_space<hbm>>
      %dma_start3A_60 = tpu.memref_slice %arg3[%add3A_58] : memref<327680xi32, #tpu.memory_space<hbm>> -> memref<64xi32, #tpu.memory_space<hbm>>
      tpu.enqueue_dma source(%dma_start3A_60 : memref<64xi32, #tpu.memory_space<hbm>>) target(%arg13 : memref<64xi32, #tpu.memory_space<vmem>>) target_semaphore(%arg25 : memref<!tpu.dma_semaphore, #tpu.memory_space<semaphore_mem>>)
      %add3A_61 = arith.constant 192 : i32
      %add3A_62 = arith.addi %multiple_of3A_33, %add3A_61 : i32
      %dma_start3A_63 = tpu.memref_slice %arg3[%add3A_62] : memref<327680xi32, #tpu.memory_space<hbm>> -> memref<64xi32, #tpu.memory_space<hbm>>
      %dma_start3A_64 = tpu.memref_slice %arg3[%add3A_62] : memref<327680xi32, #tpu.memory_space<hbm>> -> memref<64xi32, #tpu.memory_space<hbm>>
      tpu.enqueue_dma source(%dma_start3A_64 : memref<64xi32, #tpu.memory_space<hbm>>) target(%arg14 : memref<64xi32, #tpu.memory_space<vmem>>) target_semaphore(%arg27 : memref<!tpu.dma_semaphore, #tpu.memory_space<semaphore_mem>>)
      %dma_wait3A = tpu.memref_slice %arg2[%add3A_35] : memref<327680xi32, #tpu.memory_space<hbm>> -> memref<64xi32, #tpu.memory_space<hbm>>
      %dma_wait3A_65 = tpu.memref_slice %arg2[%add3A_35] : memref<327680xi32, #tpu.memory_space<hbm>> -> memref<64xi32, #tpu.memory_space<hbm>>
      tpu.wait_dma2 semaphore(%arg20 : memref<!tpu.dma_semaphore, #tpu.memory_space<semaphore_mem>>) src(%dma_wait3A_65 : memref<64xi32, #tpu.memory_space<hbm>>) dst(%arg7 : memref<64xi32, #tpu.memory_space<vmem>>)
      %dma_start3A_66 = arith.constant 0 : i32
      %dma_start3A_67 = arith.constant 0 : i32
      %dma_start3A_68 = tpu.memref_slice %arg4[%dma_start3A_66, %dma_start3A_67] : memref<10240x128xf32, #tpu.memory_space<hbm>> -> memref<10240x128xf32, #tpu.memory_space<hbm>>
      tpu.enqueue_indirect_dma source(%dma_start3A_68 : memref<10240x128xf32, #tpu.memory_space<hbm>>) target(%arg15 : memref<64x128xf32, #tpu.memory_space<vmem>>) offsets(%arg7 : memref<64xi32, #tpu.memory_space<vmem>>) semaphore(%arg28 : memref<!tpu.dma_semaphore, #tpu.memory_space<semaphore_mem>>)
      %dma_wait3A_69 = tpu.memref_slice %arg2[%add3A_38] : memref<327680xi32, #tpu.memory_space<hbm>> -> memref<64xi32, #tpu.memory_space<hbm>>
      %dma_wait3A_70 = tpu.memref_slice %arg2[%add3A_38] : memref<327680xi32, #tpu.memory_space<hbm>> -> memref<64xi32, #tpu.memory_space<hbm>>
      tpu.wait_dma2 semaphore(%arg22 : memref<!tpu.dma_semaphore, #tpu.memory_space<semaphore_mem>>) src(%dma_wait3A_70 : memref<64xi32, #tpu.memory_space<hbm>>) dst(%arg8 : memref<64xi32, #tpu.memory_space<vmem>>)
      %dma_start3A_71 = arith.constant 0 : i32
      %dma_start3A_72 = arith.constant 0 : i32
      %dma_start3A_73 = tpu.memref_slice %arg4[%dma_start3A_71, %dma_start3A_72] : memref<10240x128xf32, #tpu.memory_space<hbm>> -> memref<10240x128xf32, #tpu.memory_space<hbm>>
      tpu.enqueue_indirect_dma source(%dma_start3A_73 : memref<10240x128xf32, #tpu.memory_space<hbm>>) target(%arg16 : memref<64x128xf32, #tpu.memory_space<vmem>>) offsets(%arg8 : memref<64xi32, #tpu.memory_space<vmem>>) semaphore(%arg29 : memref<!tpu.dma_semaphore, #tpu.memory_space<semaphore_mem>>)
      %dma_wait3A_74 = tpu.memref_slice %arg2[%add3A_42] : memref<327680xi32, #tpu.memory_space<hbm>> -> memref<64xi32, #tpu.memory_space<hbm>>
      %dma_wait3A_75 = tpu.memref_slice %arg2[%add3A_42] : memref<327680xi32, #tpu.memory_space<hbm>> -> memref<64xi32, #tpu.memory_space<hbm>>
      tpu.wait_dma2 semaphore(%arg24 : memref<!tpu.dma_semaphore, #tpu.memory_space<semaphore_mem>>) src(%dma_wait3A_75 : memref<64xi32, #tpu.memory_space<hbm>>) dst(%arg9 : memref<64xi32, #tpu.memory_space<vmem>>)
      %dma_start3A_76 = arith.constant 0 : i32
      %dma_start3A_77 = arith.constant 0 : i32
      %dma_start3A_78 = tpu.memref_slice %arg4[%dma_start3A_76, %dma_start3A_77] : memref<10240x128xf32, #tpu.memory_space<hbm>> -> memref<10240x128xf32, #tpu.memory_space<hbm>>
      tpu.enqueue_indirect_dma source(%dma_start3A_78 : memref<10240x128xf32, #tpu.memory_space<hbm>>) target(%arg17 : memref<64x128xf32, #tpu.memory_space<vmem>>) offsets(%arg9 : memref<64xi32, #tpu.memory_space<vmem>>) semaphore(%arg30 : memref<!tpu.dma_semaphore, #tpu.memory_space<semaphore_mem>>)
      %dma_wait3A_79 = tpu.memref_slice %arg2[%add3A_46] : memref<327680xi32, #tpu.memory_space<hbm>> -> memref<64xi32, #tpu.memory_space<hbm>>
      %dma_wait3A_80 = tpu.memref_slice %arg2[%add3A_46] : memref<327680xi32, #tpu.memory_space<hbm>> -> memref<64xi32, #tpu.memory_space<hbm>>
      tpu.wait_dma2 semaphore(%arg26 : memref<!tpu.dma_semaphore, #tpu.memory_space<semaphore_mem>>) src(%dma_wait3A_80 : memref<64xi32, #tpu.memory_space<hbm>>) dst(%arg10 : memref<64xi32, #tpu.memory_space<vmem>>)
      %dma_start3A_81 = arith.constant 0 : i32
      %dma_start3A_82 = arith.constant 0 : i32
      %dma_start3A_83 = tpu.memref_slice %arg4[%dma_start3A_81, %dma_start3A_82] : memref<10240x128xf32, #tpu.memory_space<hbm>> -> memref<10240x128xf32, #tpu.memory_space<hbm>>
      tpu.enqueue_indirect_dma source(%dma_start3A_83 : memref<10240x128xf32, #tpu.memory_space<hbm>>) target(%arg18 : memref<64x128xf32, #tpu.memory_space<vmem>>) offsets(%arg10 : memref<64xi32, #tpu.memory_space<vmem>>) semaphore(%arg31 : memref<!tpu.dma_semaphore, #tpu.memory_space<semaphore_mem>>)
      %dma_wait3A_84 = arith.constant 0 : i32
      %dma_wait3A_85 = arith.constant 0 : i32
      %dma_wait3A_86 = tpu.memref_slice %arg4[%dma_wait3A_84, %dma_wait3A_85] : memref<10240x128xf32, #tpu.memory_space<hbm>> -> memref<10240x128xf32, #tpu.memory_space<hbm>>
      tpu.wait_indirect_dma semaphore(%arg28 : memref<!tpu.dma_semaphore, #tpu.memory_space<semaphore_mem>>) src(%dma_wait3A_86 : memref<10240x128xf32, #tpu.memory_space<hbm>>) dst(%arg15 : memref<64x128xf32, #tpu.memory_space<vmem>>)
      %dma_wait3A_87 = tpu.memref_slice %arg3[%add3A_50] : memref<327680xi32, #tpu.memory_space<hbm>> -> memref<64xi32, #tpu.memory_space<hbm>>
      %dma_wait3A_88 = tpu.memref_slice %arg3[%add3A_50] : memref<327680xi32, #tpu.memory_space<hbm>> -> memref<64xi32, #tpu.memory_space<hbm>>
      tpu.wait_dma2 semaphore(%arg21 : memref<!tpu.dma_semaphore, #tpu.memory_space<semaphore_mem>>) src(%dma_wait3A_88 : memref<64xi32, #tpu.memory_space<hbm>>) dst(%arg11 : memref<64xi32, #tpu.memory_space<vmem>>)
      %dma_start3A_89 = arith.constant 0 : i32
      %dma_start3A_90 = arith.constant 0 : i32
      %dma_start3A_91 = tpu.memref_slice %arg19[%dma_start3A_89, %dma_start3A_90] : memref<10240x128xf32, #tpu.memory_space<vmem_shared>> -> memref<10240x128xf32, #tpu.memory_space<vmem_shared>>
      tpu.enqueue_indirect_dma source(%arg15 : memref<64x128xf32, #tpu.memory_space<vmem>>) target(%dma_start3A_91 : memref<10240x128xf32, #tpu.memory_space<vmem_shared>>) offsets(%arg11 : memref<64xi32, #tpu.memory_space<vmem>>) semaphore(%arg32 : memref<!tpu.dma_semaphore, #tpu.memory_space<semaphore_mem>>) {add = true}
      %dma_wait3A_92 = arith.constant 0 : i32
      %dma_wait3A_93 = arith.constant 0 : i32
      %dma_wait3A_94 = tpu.memref_slice %arg4[%dma_wait3A_92, %dma_wait3A_93] : memref<10240x128xf32, #tpu.memory_space<hbm>> -> memref<10240x128xf32, #tpu.memory_space<hbm>>
      tpu.wait_indirect_dma semaphore(%arg29 : memref<!tpu.dma_semaphore, #tpu.memory_space<semaphore_mem>>) src(%dma_wait3A_94 : memref<10240x128xf32, #tpu.memory_space<hbm>>) dst(%arg16 : memref<64x128xf32, #tpu.memory_space<vmem>>)
      %dma_wait3A_95 = tpu.memref_slice %arg3[%add3A_54] : memref<327680xi32, #tpu.memory_space<hbm>> -> memref<64xi32, #tpu.memory_space<hbm>>
      %dma_wait3A_96 = tpu.memref_slice %arg3[%add3A_54] : memref<327680xi32, #tpu.memory_space<hbm>> -> memref<64xi32, #tpu.memory_space<hbm>>
      tpu.wait_dma2 semaphore(%arg23 : memref<!tpu.dma_semaphore, #tpu.memory_space<semaphore_mem>>) src(%dma_wait3A_96 : memref<64xi32, #tpu.memory_space<hbm>>) dst(%arg12 : memref<64xi32, #tpu.memory_space<vmem>>)
      %dma_start3A_97 = arith.constant 0 : i32
      %dma_start3A_98 = arith.constant 0 : i32
      %dma_start3A_99 = tpu.memref_slice %arg19[%dma_start3A_97, %dma_start3A_98] : memref<10240x128xf32, #tpu.memory_space<vmem_shared>> -> memref<10240x128xf32, #tpu.memory_space<vmem_shared>>
      tpu.enqueue_indirect_dma source(%arg16 : memref<64x128xf32, #tpu.memory_space<vmem>>) target(%dma_start3A_99 : memref<10240x128xf32, #tpu.memory_space<vmem_shared>>) offsets(%arg12 : memref<64xi32, #tpu.memory_space<vmem>>) semaphore(%arg33 : memref<!tpu.dma_semaphore, #tpu.memory_space<semaphore_mem>>) {add = true}
      %dma_wait3A_100 = arith.constant 0 : i32
      %dma_wait3A_101 = arith.constant 0 : i32
      %dma_wait3A_102 = tpu.memref_slice %arg4[%dma_wait3A_100, %dma_wait3A_101] : memref<10240x128xf32, #tpu.memory_space<hbm>> -> memref<10240x128xf32, #tpu.memory_space<hbm>>
      tpu.wait_indirect_dma semaphore(%arg30 : memref<!tpu.dma_semaphore, #tpu.memory_space<semaphore_mem>>) src(%dma_wait3A_102 : memref<10240x128xf32, #tpu.memory_space<hbm>>) dst(%arg17 : memref<64x128xf32, #tpu.memory_space<vmem>>)
      %dma_wait3A_103 = tpu.memref_slice %arg3[%add3A_58] : memref<327680xi32, #tpu.memory_space<hbm>> -> memref<64xi32, #tpu.memory_space<hbm>>
      %dma_wait3A_104 = tpu.memref_slice %arg3[%add3A_58] : memref<327680xi32, #tpu.memory_space<hbm>> -> memref<64xi32, #tpu.memory_space<hbm>>
      tpu.wait_dma2 semaphore(%arg25 : memref<!tpu.dma_semaphore, #tpu.memory_space<semaphore_mem>>) src(%dma_wait3A_104 : memref<64xi32, #tpu.memory_space<hbm>>) dst(%arg13 : memref<64xi32, #tpu.memory_space<vmem>>)
      %dma_start3A_105 = arith.constant 0 : i32
      %dma_start3A_106 = arith.constant 0 : i32
      %dma_start3A_107 = tpu.memref_slice %arg19[%dma_start3A_105, %dma_start3A_106] : memref<10240x128xf32, #tpu.memory_space<vmem_shared>> -> memref<10240x128xf32, #tpu.memory_space<vmem_shared>>
      tpu.enqueue_indirect_dma source(%arg17 : memref<64x128xf32, #tpu.memory_space<vmem>>) target(%dma_start3A_107 : memref<10240x128xf32, #tpu.memory_space<vmem_shared>>) offsets(%arg13 : memref<64xi32, #tpu.memory_space<vmem>>) semaphore(%arg34 : memref<!tpu.dma_semaphore, #tpu.memory_space<semaphore_mem>>) {add = true}
      %dma_wait3A_108 = arith.constant 0 : i32
      %dma_wait3A_109 = arith.constant 0 : i32
      %dma_wait3A_110 = tpu.memref_slice %arg4[%dma_wait3A_108, %dma_wait3A_109] : memref<10240x128xf32, #tpu.memory_space<hbm>> -> memref<10240x128xf32, #tpu.memory_space<hbm>>
      tpu.wait_indirect_dma semaphore(%arg31 : memref<!tpu.dma_semaphore, #tpu.memory_space<semaphore_mem>>) src(%dma_wait3A_110 : memref<10240x128xf32, #tpu.memory_space<hbm>>) dst(%arg18 : memref<64x128xf32, #tpu.memory_space<vmem>>)
      %dma_wait3A_111 = tpu.memref_slice %arg3[%add3A_62] : memref<327680xi32, #tpu.memory_space<hbm>> -> memref<64xi32, #tpu.memory_space<hbm>>
      %dma_wait3A_112 = tpu.memref_slice %arg3[%add3A_62] : memref<327680xi32, #tpu.memory_space<hbm>> -> memref<64xi32, #tpu.memory_space<hbm>>
      tpu.wait_dma2 semaphore(%arg27 : memref<!tpu.dma_semaphore, #tpu.memory_space<semaphore_mem>>) src(%dma_wait3A_112 : memref<64xi32, #tpu.memory_space<hbm>>) dst(%arg14 : memref<64xi32, #tpu.memory_space<vmem>>)
      %dma_start3A_113 = arith.constant 0 : i32
      %dma_start3A_114 = arith.constant 0 : i32
      %dma_start3A_115 = tpu.memref_slice %arg19[%dma_start3A_113, %dma_start3A_114] : memref<10240x128xf32, #tpu.memory_space<vmem_shared>> -> memref<10240x128xf32, #tpu.memory_space<vmem_shared>>
      tpu.enqueue_indirect_dma source(%arg18 : memref<64x128xf32, #tpu.memory_space<vmem>>) target(%dma_start3A_115 : memref<10240x128xf32, #tpu.memory_space<vmem_shared>>) offsets(%arg14 : memref<64xi32, #tpu.memory_space<vmem>>) semaphore(%arg35 : memref<!tpu.dma_semaphore, #tpu.memory_space<semaphore_mem>>) {add = true}
      %dma_wait3A_116 = arith.constant 0 : i32
      %dma_wait3A_117 = arith.constant 0 : i32
      %dma_wait3A_118 = tpu.memref_slice %arg19[%dma_wait3A_116, %dma_wait3A_117] : memref<10240x128xf32, #tpu.memory_space<vmem_shared>> -> memref<10240x128xf32, #tpu.memory_space<vmem_shared>>
      tpu.wait_indirect_dma semaphore(%arg32 : memref<!tpu.dma_semaphore, #tpu.memory_space<semaphore_mem>>) src(%arg15 : memref<64x128xf32, #tpu.memory_space<vmem>>) dst(%dma_wait3A_118 : memref<10240x128xf32, #tpu.memory_space<vmem_shared>>)
      %dma_wait3A_119 = arith.constant 0 : i32
      %dma_wait3A_120 = arith.constant 0 : i32
      %dma_wait3A_121 = tpu.memref_slice %arg19[%dma_wait3A_119, %dma_wait3A_120] : memref<10240x128xf32, #tpu.memory_space<vmem_shared>> -> memref<10240x128xf32, #tpu.memory_space<vmem_shared>>
      tpu.wait_indirect_dma semaphore(%arg33 : memref<!tpu.dma_semaphore, #tpu.memory_space<semaphore_mem>>) src(%arg16 : memref<64x128xf32, #tpu.memory_space<vmem>>) dst(%dma_wait3A_121 : memref<10240x128xf32, #tpu.memory_space<vmem_shared>>)
      %dma_wait3A_122 = arith.constant 0 : i32
      %dma_wait3A_123 = arith.constant 0 : i32
      %dma_wait3A_124 = tpu.memref_slice %arg19[%dma_wait3A_122, %dma_wait3A_123] : memref<10240x128xf32, #tpu.memory_space<vmem_shared>> -> memref<10240x128xf32, #tpu.memory_space<vmem_shared>>
      tpu.wait_indirect_dma semaphore(%arg34 : memref<!tpu.dma_semaphore, #tpu.memory_space<semaphore_mem>>) src(%arg17 : memref<64x128xf32, #tpu.memory_space<vmem>>) dst(%dma_wait3A_124 : memref<10240x128xf32, #tpu.memory_space<vmem_shared>>)
      %dma_wait3A_125 = arith.constant 0 : i32
      %dma_wait3A_126 = arith.constant 0 : i32
      %dma_wait3A_127 = tpu.memref_slice %arg19[%dma_wait3A_125, %dma_wait3A_126] : memref<10240x128xf32, #tpu.memory_space<vmem_shared>> -> memref<10240x128xf32, #tpu.memory_space<vmem_shared>>
      tpu.wait_indirect_dma semaphore(%arg35 : memref<!tpu.dma_semaphore, #tpu.memory_space<semaphore_mem>>) src(%arg18 : memref<64x128xf32, #tpu.memory_space<vmem>>) dst(%dma_wait3A_127 : memref<10240x128xf32, #tpu.memory_space<vmem_shared>>)
      %while3A_128 = arith.constant 0 : i32
      scf.yield %while3A_128 : i32
    }
    %while3A_23 = arith.constant 1 : i32
    %while3A_24 = scf.for %while3A_26 = %while3A_20 to %while3A_16 step %while3A_23 iter_args(%while3A_27 = %while3A_22) -> (i32)  : i32 {
      %mul3A_28 = arith.constant 4 : i32
      %mul3A_29 = arith.muli %while3A_26, %mul3A_28 : i32
      %add3A_30 = arith.addi %select_n3A, %mul3A_29 : i32
      %mul3A_31 = arith.constant 64 : i32
      %mul3A_32 = arith.muli %add3A_30, %mul3A_31 : i32
      %multiple_of3A_33 = tpu.assume_multiple %mul3A_32, 64 : i32
      %add3A_34 = arith.constant 0 : i32
      %add3A_35 = arith.addi %multiple_of3A_33, %add3A_34 : i32
      %dma_start3A = tpu.memref_slice %arg2[%add3A_35] : memref<327680xi32, #tpu.memory_space<hbm>> -> memref<64xi32, #tpu.memory_space<hbm>>
      %dma_start3A_36 = tpu.memref_slice %arg2[%add3A_35] : memref<327680xi32, #tpu.memory_space<hbm>> -> memref<64xi32, #tpu.memory_space<hbm>>
      tpu.enqueue_dma source(%dma_start3A_36 : memref<64xi32, #tpu.memory_space<hbm>>) target(%arg7 : memref<64xi32, #tpu.memory_space<vmem>>) target_semaphore(%arg20 : memref<!tpu.dma_semaphore, #tpu.memory_space<semaphore_mem>>)
      %add3A_37 = arith.constant 64 : i32
      %add3A_38 = arith.addi %multiple_of3A_33, %add3A_37 : i32
      %dma_start3A_39 = tpu.memref_slice %arg2[%add3A_38] : memref<327680xi32, #tpu.memory_space<hbm>> -> memref<64xi32, #tpu.memory_space<hbm>>
      %dma_start3A_40 = tpu.memref_slice %arg2[%add3A_38] : memref<327680xi32, #tpu.memory_space<hbm>> -> memref<64xi32, #tpu.memory_space<hbm>>
      tpu.enqueue_dma source(%dma_start3A_40 : memref<64xi32, #tpu.memory_space<hbm>>) target(%arg8 : memref<64xi32, #tpu.memory_space<vmem>>) target_semaphore(%arg22 : memref<!tpu.dma_semaphore, #tpu.memory_space<semaphore_mem>>)
      %add3A_41 = arith.constant 128 : i32
      %add3A_42 = arith.addi %multiple_of3A_33, %add3A_41 : i32
      %dma_start3A_43 = tpu.memref_slice %arg2[%add3A_42] : memref<327680xi32, #tpu.memory_space<hbm>> -> memref<64xi32, #tpu.memory_space<hbm>>
      %dma_start3A_44 = tpu.memref_slice %arg2[%add3A_42] : memref<327680xi32, #tpu.memory_space<hbm>> -> memref<64xi32, #tpu.memory_space<hbm>>
      tpu.enqueue_dma source(%dma_start3A_44 : memref<64xi32, #tpu.memory_space<hbm>>) target(%arg9 : memref<64xi32, #tpu.memory_space<vmem>>) target_semaphore(%arg24 : memref<!tpu.dma_semaphore, #tpu.memory_space<semaphore_mem>>)
      %add3A_45 = arith.constant 192 : i32
      %add3A_46 = arith.addi %multiple_of3A_33, %add3A_45 : i32
      %dma_start3A_47 = tpu.memref_slice %arg2[%add3A_46] : memref<327680xi32, #tpu.memory_space<hbm>> -> memref<64xi32, #tpu.memory_space<hbm>>
      %dma_start3A_48 = tpu.memref_slice %arg2[%add3A_46] : memref<327680xi32, #tpu.memory_space<hbm>> -> memref<64xi32, #tpu.memory_space<hbm>>
      tpu.enqueue_dma source(%dma_start3A_48 : memref<64xi32, #tpu.memory_space<hbm>>) target(%arg10 : memref<64xi32, #tpu.memory_space<vmem>>) target_semaphore(%arg26 : memref<!tpu.dma_semaphore, #tpu.memory_space<semaphore_mem>>)
      %add3A_49 = arith.constant 0 : i32
      %add3A_50 = arith.addi %multiple_of3A_33, %add3A_49 : i32
      %dma_start3A_51 = tpu.memref_slice %arg3[%add3A_50] : memref<327680xi32, #tpu.memory_space<hbm>> -> memref<64xi32, #tpu.memory_space<hbm>>
      %dma_start3A_52 = tpu.memref_slice %arg3[%add3A_50] : memref<327680xi32, #tpu.memory_space<hbm>> -> memref<64xi32, #tpu.memory_space<hbm>>
      tpu.enqueue_dma source(%dma_start3A_52 : memref<64xi32, #tpu.memory_space<hbm>>) target(%arg11 : memref<64xi32, #tpu.memory_space<vmem>>) target_semaphore(%arg21 : memref<!tpu.dma_semaphore, #tpu.memory_space<semaphore_mem>>)
      %add3A_53 = arith.constant 64 : i32
      %add3A_54 = arith.addi %multiple_of3A_33, %add3A_53 : i32
      %dma_start3A_55 = tpu.memref_slice %arg3[%add3A_54] : memref<327680xi32, #tpu.memory_space<hbm>> -> memref<64xi32, #tpu.memory_space<hbm>>
      %dma_start3A_56 = tpu.memref_slice %arg3[%add3A_54] : memref<327680xi32, #tpu.memory_space<hbm>> -> memref<64xi32, #tpu.memory_space<hbm>>
      tpu.enqueue_dma source(%dma_start3A_56 : memref<64xi32, #tpu.memory_space<hbm>>) target(%arg12 : memref<64xi32, #tpu.memory_space<vmem>>) target_semaphore(%arg23 : memref<!tpu.dma_semaphore, #tpu.memory_space<semaphore_mem>>)
      %add3A_57 = arith.constant 128 : i32
      %add3A_58 = arith.addi %multiple_of3A_33, %add3A_57 : i32
      %dma_start3A_59 = tpu.memref_slice %arg3[%add3A_58] : memref<327680xi32, #tpu.memory_space<hbm>> -> memref<64xi32, #tpu.memory_space<hbm>>
      %dma_start3A_60 = tpu.memref_slice %arg3[%add3A_58] : memref<327680xi32, #tpu.memory_space<hbm>> -> memref<64xi32, #tpu.memory_space<hbm>>
      tpu.enqueue_dma source(%dma_start3A_60 : memref<64xi32, #tpu.memory_space<hbm>>) target(%arg13 : memref<64xi32, #tpu.memory_space<vmem>>) target_semaphore(%arg25 : memref<!tpu.dma_semaphore, #tpu.memory_space<semaphore_mem>>)
      %add3A_61 = arith.constant 192 : i32
      %add3A_62 = arith.addi %multiple_of3A_33, %add3A_61 : i32
      %dma_start3A_63 = tpu.memref_slice %arg3[%add3A_62] : memref<327680xi32, #tpu.memory_space<hbm>> -> memref<64xi32, #tpu.memory_space<hbm>>
      %dma_start3A_64 = tpu.memref_slice %arg3[%add3A_62] : memref<327680xi32, #tpu.memory_space<hbm>> -> memref<64xi32, #tpu.memory_space<hbm>>
      tpu.enqueue_dma source(%dma_start3A_64 : memref<64xi32, #tpu.memory_space<hbm>>) target(%arg14 : memref<64xi32, #tpu.memory_space<vmem>>) target_semaphore(%arg27 : memref<!tpu.dma_semaphore, #tpu.memory_space<semaphore_mem>>)
      %dma_wait3A = tpu.memref_slice %arg2[%add3A_35] : memref<327680xi32, #tpu.memory_space<hbm>> -> memref<64xi32, #tpu.memory_space<hbm>>
      %dma_wait3A_65 = tpu.memref_slice %arg2[%add3A_35] : memref<327680xi32, #tpu.memory_space<hbm>> -> memref<64xi32, #tpu.memory_space<hbm>>
      tpu.wait_dma2 semaphore(%arg20 : memref<!tpu.dma_semaphore, #tpu.memory_space<semaphore_mem>>) src(%dma_wait3A_65 : memref<64xi32, #tpu.memory_space<hbm>>) dst(%arg7 : memref<64xi32, #tpu.memory_space<vmem>>)
      %dma_start3A_66 = arith.constant 0 : i32
      %dma_start3A_67 = arith.constant 0 : i32
      %dma_start3A_68 = tpu.memref_slice %arg4[%dma_start3A_66, %dma_start3A_67] : memref<10240x128xf32, #tpu.memory_space<hbm>> -> memref<10240x128xf32, #tpu.memory_space<hbm>>
      tpu.enqueue_indirect_dma source(%dma_start3A_68 : memref<10240x128xf32, #tpu.memory_space<hbm>>) target(%arg15 : memref<64x128xf32, #tpu.memory_space<vmem>>) offsets(%arg7 : memref<64xi32, #tpu.memory_space<vmem>>) semaphore(%arg28 : memref<!tpu.dma_semaphore, #tpu.memory_space<semaphore_mem>>)
      %dma_wait3A_69 = tpu.memref_slice %arg2[%add3A_38] : memref<327680xi32, #tpu.memory_space<hbm>> -> memref<64xi32, #tpu.memory_space<hbm>>
      %dma_wait3A_70 = tpu.memref_slice %arg2[%add3A_38] : memref<327680xi32, #tpu.memory_space<hbm>> -> memref<64xi32, #tpu.memory_space<hbm>>
      tpu.wait_dma2 semaphore(%arg22 : memref<!tpu.dma_semaphore, #tpu.memory_space<semaphore_mem>>) src(%dma_wait3A_70 : memref<64xi32, #tpu.memory_space<hbm>>) dst(%arg8 : memref<64xi32, #tpu.memory_space<vmem>>)
      %dma_start3A_71 = arith.constant 0 : i32
      %dma_start3A_72 = arith.constant 0 : i32
      %dma_start3A_73 = tpu.memref_slice %arg4[%dma_start3A_71, %dma_start3A_72] : memref<10240x128xf32, #tpu.memory_space<hbm>> -> memref<10240x128xf32, #tpu.memory_space<hbm>>
      tpu.enqueue_indirect_dma source(%dma_start3A_73 : memref<10240x128xf32, #tpu.memory_space<hbm>>) target(%arg16 : memref<64x128xf32, #tpu.memory_space<vmem>>) offsets(%arg8 : memref<64xi32, #tpu.memory_space<vmem>>) semaphore(%arg29 : memref<!tpu.dma_semaphore, #tpu.memory_space<semaphore_mem>>)
      %dma_wait3A_74 = tpu.memref_slice %arg2[%add3A_42] : memref<327680xi32, #tpu.memory_space<hbm>> -> memref<64xi32, #tpu.memory_space<hbm>>
      %dma_wait3A_75 = tpu.memref_slice %arg2[%add3A_42] : memref<327680xi32, #tpu.memory_space<hbm>> -> memref<64xi32, #tpu.memory_space<hbm>>
      tpu.wait_dma2 semaphore(%arg24 : memref<!tpu.dma_semaphore, #tpu.memory_space<semaphore_mem>>) src(%dma_wait3A_75 : memref<64xi32, #tpu.memory_space<hbm>>) dst(%arg9 : memref<64xi32, #tpu.memory_space<vmem>>)
      %dma_start3A_76 = arith.constant 0 : i32
      %dma_start3A_77 = arith.constant 0 : i32
      %dma_start3A_78 = tpu.memref_slice %arg4[%dma_start3A_76, %dma_start3A_77] : memref<10240x128xf32, #tpu.memory_space<hbm>> -> memref<10240x128xf32, #tpu.memory_space<hbm>>
      tpu.enqueue_indirect_dma source(%dma_start3A_78 : memref<10240x128xf32, #tpu.memory_space<hbm>>) target(%arg17 : memref<64x128xf32, #tpu.memory_space<vmem>>) offsets(%arg9 : memref<64xi32, #tpu.memory_space<vmem>>) semaphore(%arg30 : memref<!tpu.dma_semaphore, #tpu.memory_space<semaphore_mem>>)
      %dma_wait3A_79 = tpu.memref_slice %arg2[%add3A_46] : memref<327680xi32, #tpu.memory_space<hbm>> -> memref<64xi32, #tpu.memory_space<hbm>>
      %dma_wait3A_80 = tpu.memref_slice %arg2[%add3A_46] : memref<327680xi32, #tpu.memory_space<hbm>> -> memref<64xi32, #tpu.memory_space<hbm>>
      tpu.wait_dma2 semaphore(%arg26 : memref<!tpu.dma_semaphore, #tpu.memory_space<semaphore_mem>>) src(%dma_wait3A_80 : memref<64xi32, #tpu.memory_space<hbm>>) dst(%arg10 : memref<64xi32, #tpu.memory_space<vmem>>)
      %dma_start3A_81 = arith.constant 0 : i32
      %dma_start3A_82 = arith.constant 0 : i32
      %dma_start3A_83 = tpu.memref_slice %arg4[%dma_start3A_81, %dma_start3A_82] : memref<10240x128xf32, #tpu.memory_space<hbm>> -> memref<10240x128xf32, #tpu.memory_space<hbm>>
      tpu.enqueue_indirect_dma source(%dma_start3A_83 : memref<10240x128xf32, #tpu.memory_space<hbm>>) target(%arg18 : memref<64x128xf32, #tpu.memory_space<vmem>>) offsets(%arg10 : memref<64xi32, #tpu.memory_space<vmem>>) semaphore(%arg31 : memref<!tpu.dma_semaphore, #tpu.memory_space<semaphore_mem>>)
      %dma_wait3A_84 = arith.constant 0 : i32
      %dma_wait3A_85 = arith.constant 0 : i32
      %dma_wait3A_86 = tpu.memref_slice %arg4[%dma_wait3A_84, %dma_wait3A_85] : memref<10240x128xf32, #tpu.memory_space<hbm>> -> memref<10240x128xf32, #tpu.memory_space<hbm>>
      tpu.wait_indirect_dma semaphore(%arg28 : memref<!tpu.dma_semaphore, #tpu.memory_space<semaphore_mem>>) src(%dma_wait3A_86 : memref<10240x128xf32, #tpu.memory_space<hbm>>) dst(%arg15 : memref<64x128xf32, #tpu.memory_space<vmem>>)
      %dma_wait3A_87 = tpu.memref_slice %arg3[%add3A_50] : memref<327680xi32, #tpu.memory_space<hbm>> -> memref<64xi32, #tpu.memory_space<hbm>>
      %dma_wait3A_88 = tpu.memref_slice %arg3[%add3A_50] : memref<327680xi32, #tpu.memory_space<hbm>> -> memref<64xi32, #tpu.memory_space<hbm>>
      tpu.wait_dma2 semaphore(%arg21 : memref<!tpu.dma_semaphore, #tpu.memory_space<semaphore_mem>>) src(%dma_wait3A_88 : memref<64xi32, #tpu.memory_space<hbm>>) dst(%arg11 : memref<64xi32, #tpu.memory_space<vmem>>)
      %dma_start3A_89 = arith.constant 0 : i32
      %dma_start3A_90 = arith.constant 0 : i32
      %dma_start3A_91 = tpu.memref_slice %arg19[%dma_start3A_89, %dma_start3A_90] : memref<10240x128xf32, #tpu.memory_space<vmem_shared>> -> memref<10240x128xf32, #tpu.memory_space<vmem_shared>>
      tpu.enqueue_indirect_dma source(%arg15 : memref<64x128xf32, #tpu.memory_space<vmem>>) target(%dma_start3A_91 : memref<10240x128xf32, #tpu.memory_space<vmem_shared>>) offsets(%arg11 : memref<64xi32, #tpu.memory_space<vmem>>) semaphore(%arg32 : memref<!tpu.dma_semaphore, #tpu.memory_space<semaphore_mem>>) {add = true}
      %dma_wait3A_92 = arith.constant 0 : i32
      %dma_wait3A_93 = arith.constant 0 : i32
      %dma_wait3A_94 = tpu.memref_slice %arg4[%dma_wait3A_92, %dma_wait3A_93] : memref<10240x128xf32, #tpu.memory_space<hbm>> -> memref<10240x128xf32, #tpu.memory_space<hbm>>
      tpu.wait_indirect_dma semaphore(%arg29 : memref<!tpu.dma_semaphore, #tpu.memory_space<semaphore_mem>>) src(%dma_wait3A_94 : memref<10240x128xf32, #tpu.memory_space<hbm>>) dst(%arg16 : memref<64x128xf32, #tpu.memory_space<vmem>>)
      %dma_wait3A_95 = tpu.memref_slice %arg3[%add3A_54] : memref<327680xi32, #tpu.memory_space<hbm>> -> memref<64xi32, #tpu.memory_space<hbm>>
      %dma_wait3A_96 = tpu.memref_slice %arg3[%add3A_54] : memref<327680xi32, #tpu.memory_space<hbm>> -> memref<64xi32, #tpu.memory_space<hbm>>
      tpu.wait_dma2 semaphore(%arg23 : memref<!tpu.dma_semaphore, #tpu.memory_space<semaphore_mem>>) src(%dma_wait3A_96 : memref<64xi32, #tpu.memory_space<hbm>>) dst(%arg12 : memref<64xi32, #tpu.memory_space<vmem>>)
      %dma_start3A_97 = arith.constant 0 : i32
      %dma_start3A_98 = arith.constant 0 : i32
      %dma_start3A_99 = tpu.memref_slice %arg19[%dma_start3A_97, %dma_start3A_98] : memref<10240x128xf32, #tpu.memory_space<vmem_shared>> -> memref<10240x128xf32, #tpu.memory_space<vmem_shared>>
      tpu.enqueue_indirect_dma source(%arg16 : memref<64x128xf32, #tpu.memory_space<vmem>>) target(%dma_start3A_99 : memref<10240x128xf32, #tpu.memory_space<vmem_shared>>) offsets(%arg12 : memref<64xi32, #tpu.memory_space<vmem>>) semaphore(%arg33 : memref<!tpu.dma_semaphore, #tpu.memory_space<semaphore_mem>>) {add = true}
      %dma_wait3A_100 = arith.constant 0 : i32
      %dma_wait3A_101 = arith.constant 0 : i32
      %dma_wait3A_102 = tpu.memref_slice %arg4[%dma_wait3A_100, %dma_wait3A_101] : memref<10240x128xf32, #tpu.memory_space<hbm>> -> memref<10240x128xf32, #tpu.memory_space<hbm>>
      tpu.wait_indirect_dma semaphore(%arg30 : memref<!tpu.dma_semaphore, #tpu.memory_space<semaphore_mem>>) src(%dma_wait3A_102 : memref<10240x128xf32, #tpu.memory_space<hbm>>) dst(%arg17 : memref<64x128xf32, #tpu.memory_space<vmem>>)
      %dma_wait3A_103 = tpu.memref_slice %arg3[%add3A_58] : memref<327680xi32, #tpu.memory_space<hbm>> -> memref<64xi32, #tpu.memory_space<hbm>>
      %dma_wait3A_104 = tpu.memref_slice %arg3[%add3A_58] : memref<327680xi32, #tpu.memory_space<hbm>> -> memref<64xi32, #tpu.memory_space<hbm>>
      tpu.wait_dma2 semaphore(%arg25 : memref<!tpu.dma_semaphore, #tpu.memory_space<semaphore_mem>>) src(%dma_wait3A_104 : memref<64xi32, #tpu.memory_space<hbm>>) dst(%arg13 : memref<64xi32, #tpu.memory_space<vmem>>)
      %dma_start3A_105 = arith.constant 0 : i32
      %dma_start3A_106 = arith.constant 0 : i32
      %dma_start3A_107 = tpu.memref_slice %arg19[%dma_start3A_105, %dma_start3A_106] : memref<10240x128xf32, #tpu.memory_space<vmem_shared>> -> memref<10240x128xf32, #tpu.memory_space<vmem_shared>>
      tpu.enqueue_indirect_dma source(%arg17 : memref<64x128xf32, #tpu.memory_space<vmem>>) target(%dma_start3A_107 : memref<10240x128xf32, #tpu.memory_space<vmem_shared>>) offsets(%arg13 : memref<64xi32, #tpu.memory_space<vmem>>) semaphore(%arg34 : memref<!tpu.dma_semaphore, #tpu.memory_space<semaphore_mem>>) {add = true}
      %dma_wait3A_108 = arith.constant 0 : i32
      %dma_wait3A_109 = arith.constant 0 : i32
      %dma_wait3A_110 = tpu.memref_slice %arg4[%dma_wait3A_108, %dma_wait3A_109] : memref<10240x128xf32, #tpu.memory_space<hbm>> -> memref<10240x128xf32, #tpu.memory_space<hbm>>
      tpu.wait_indirect_dma semaphore(%arg31 : memref<!tpu.dma_semaphore, #tpu.memory_space<semaphore_mem>>) src(%dma_wait3A_110 : memref<10240x128xf32, #tpu.memory_space<hbm>>) dst(%arg18 : memref<64x128xf32, #tpu.memory_space<vmem>>)
      %dma_wait3A_111 = tpu.memref_slice %arg3[%add3A_62] : memref<327680xi32, #tpu.memory_space<hbm>> -> memref<64xi32, #tpu.memory_space<hbm>>
      %dma_wait3A_112 = tpu.memref_slice %arg3[%add3A_62] : memref<327680xi32, #tpu.memory_space<hbm>> -> memref<64xi32, #tpu.memory_space<hbm>>
      tpu.wait_dma2 semaphore(%arg27 : memref<!tpu.dma_semaphore, #tpu.memory_space<semaphore_mem>>) src(%dma_wait3A_112 : memref<64xi32, #tpu.memory_space<hbm>>) dst(%arg14 : memref<64xi32, #tpu.memory_space<vmem>>)
      %dma_start3A_113 = arith.constant 0 : i32
      %dma_start3A_114 = arith.constant 0 : i32
      %dma_start3A_115 = tpu.memref_slice %arg19[%dma_start3A_113, %dma_start3A_114] : memref<10240x128xf32, #tpu.memory_space<vmem_shared>> -> memref<10240x128xf32, #tpu.memory_space<vmem_shared>>
      tpu.enqueue_indirect_dma source(%arg18 : memref<64x128xf32, #tpu.memory_space<vmem>>) target(%dma_start3A_115 : memref<10240x128xf32, #tpu.memory_space<vmem_shared>>) offsets(%arg14 : memref<64xi32, #tpu.memory_space<vmem>>) semaphore(%arg35 : memref<!tpu.dma_semaphore, #tpu.memory_space<semaphore_mem>>) {add = true}
      %dma_wait3A_116 = arith.constant 0 : i32
      %dma_wait3A_117 = arith.constant 0 : i32
      %dma_wait3A_118 = tpu.memref_slice %arg19[%dma_wait3A_116, %dma_wait3A_117] : memref<10240x128xf32, #tpu.memory_space<vmem_shared>> -> memref<10240x128xf32, #tpu.memory_space<vmem_shared>>
      tpu.wait_indirect_dma semaphore(%arg32 : memref<!tpu.dma_semaphore, #tpu.memory_space<semaphore_mem>>) src(%arg15 : memref<64x128xf32, #tpu.memory_space<vmem>>) dst(%dma_wait3A_118 : memref<10240x128xf32, #tpu.memory_space<vmem_shared>>)
      %dma_wait3A_119 = arith.constant 0 : i32
      %dma_wait3A_120 = arith.constant 0 : i32
      %dma_wait3A_121 = tpu.memref_slice %arg19[%dma_wait3A_119, %dma_wait3A_120] : memref<10240x128xf32, #tpu.memory_space<vmem_shared>> -> memref<10240x128xf32, #tpu.memory_space<vmem_shared>>
      tpu.wait_indirect_dma semaphore(%arg33 : memref<!tpu.dma_semaphore, #tpu.memory_space<semaphore_mem>>) src(%arg16 : memref<64x128xf32, #tpu.memory_space<vmem>>) dst(%dma_wait3A_121 : memref<10240x128xf32, #tpu.memory_space<vmem_shared>>)
      %dma_wait3A_122 = arith.constant 0 : i32
      %dma_wait3A_123 = arith.constant 0 : i32
      %dma_wait3A_124 = tpu.memref_slice %arg19[%dma_wait3A_122, %dma_wait3A_123] : memref<10240x128xf32, #tpu.memory_space<vmem_shared>> -> memref<10240x128xf32, #tpu.memory_space<vmem_shared>>
      tpu.wait_indirect_dma semaphore(%arg34 : memref<!tpu.dma_semaphore, #tpu.memory_space<semaphore_mem>>) src(%arg17 : memref<64x128xf32, #tpu.memory_space<vmem>>) dst(%dma_wait3A_124 : memref<10240x128xf32, #tpu.memory_space<vmem_shared>>)
      %dma_wait3A_125 = arith.constant 0 : i32
      %dma_wait3A_126 = arith.constant 0 : i32
      %dma_wait3A_127 = tpu.memref_slice %arg19[%dma_wait3A_125, %dma_wait3A_126] : memref<10240x128xf32, #tpu.memory_space<vmem_shared>> -> memref<10240x128xf32, #tpu.memory_space<vmem_shared>>
      tpu.wait_indirect_dma semaphore(%arg35 : memref<!tpu.dma_semaphore, #tpu.memory_space<semaphore_mem>>) src(%arg18 : memref<64x128xf32, #tpu.memory_space<vmem>>) dst(%dma_wait3A_127 : memref<10240x128xf32, #tpu.memory_space<vmem_shared>>)
      %while3A_128 = arith.constant 0 : i32
      scf.yield %while3A_128 : i32
    }
    %barrier3A_25 = arith.constant 0 : index
    tpu.barrier barrier_id(%barrier3A_25)
    "tpu.region"() ({
      %run_scoped3A = tpu.sem_alloc : memref<!tpu.dma_semaphore, #tpu.memory_space<semaphore_mem>>
      %dma_start3A = arith.constant 0 : i32
      %dma_start3A_26 = tpu.memref_slice %arg6[%arg0, %multiple_of3A, %dma_start3A] : memref<2x10240x128xf32, #tpu.memory_space<hbm>> -> memref<1x640x128xf32, #tpu.memory_space<hbm>>
      %dma_start3A_27 = tpu.memref_squeeze %dma_start3A_26 : memref<1x640x128xf32, #tpu.memory_space<hbm>> -> memref<640x128xf32, #tpu.memory_space<hbm>>
      %dma_start3A_28 = arith.constant 0 : i32
      %dma_start3A_29 = tpu.memref_slice %arg19[%multiple_of3A, %dma_start3A_28] : memref<10240x128xf32, #tpu.memory_space<vmem_shared>> -> memref<640x128xf32, #tpu.memory_space<vmem_shared>>
      tpu.enqueue_dma source(%dma_start3A_29 : memref<640x128xf32, #tpu.memory_space<vmem_shared>>) target(%dma_start3A_27 : memref<640x128xf32, #tpu.memory_space<hbm>>) target_semaphore(%run_scoped3A : memref<!tpu.dma_semaphore, #tpu.memory_space<semaphore_mem>>)
      %dma_wait3A = arith.constant 0 : i32
      %dma_wait3A_30 = tpu.memref_slice %arg6[%arg0, %multiple_of3A, %dma_wait3A] : memref<2x10240x128xf32, #tpu.memory_space<hbm>> -> memref<1x640x128xf32, #tpu.memory_space<hbm>>
      %dma_wait3A_31 = tpu.memref_squeeze %dma_wait3A_30 : memref<1x640x128xf32, #tpu.memory_space<hbm>> -> memref<640x128xf32, #tpu.memory_space<hbm>>
      %dma_wait3A_32 = arith.constant 0 : i32
      %dma_wait3A_33 = tpu.memref_slice %arg19[%multiple_of3A, %dma_wait3A_32] : memref<10240x128xf32, #tpu.memory_space<vmem_shared>> -> memref<640x128xf32, #tpu.memory_space<vmem_shared>>
      tpu.wait_dma2 semaphore(%run_scoped3A : memref<!tpu.dma_semaphore, #tpu.memory_space<semaphore_mem>>) src(%dma_wait3A_33 : memref<640x128xf32, #tpu.memory_space<vmem_shared>>) dst(%dma_wait3A_31 : memref<640x128xf32, #tpu.memory_space<hbm>>)
      tpu.yield
    }) : () -> ()
    return
  }
}

module attributes {stable_mosaic.version = 14 : i64} {
  func.func @_k1_body(%arg0: i32, %arg1: memref<2x1000x1xf32, #tpu.memory_space<vmem>>, %arg2: memref<1000x128xf32, #tpu.memory_space<vmem>>, %arg3: memref<128x128xf32, #tpu.memory_space<vmem>>, %arg4: memref<1x128xf32, #tpu.memory_space<vmem>>, %arg5: memref<128x128xf32, #tpu.memory_space<vmem>>, %arg6: memref<1000x128xf32, #tpu.memory_space<vmem>>, %arg7: memref<1000x1xf32, #tpu.memory_space<vmem>>) attributes {dimension_semantics = [#tpu.dimension_semantics<arbitrary>], iteration_bounds = array<i64: 10>, scalar_prefetch = 0 : i64, scratch_operands = 0 : i64, tpu.core_type = #tpu.core_type<tc>, window_params = [{transform_indices = @transform_0, window_bounds = array<i64: 2, 1000, 1>}, {transform_indices = @transform_1, window_bounds = array<i64: 1000, 128>}, {pipeline_mode = #tpu.pipeline_mode<synchronous>, transform_indices = @transform_2, window_bounds = array<i64: 128, 128>}, {pipeline_mode = #tpu.pipeline_mode<synchronous>, transform_indices = @transform_3, window_bounds = array<i64: 1, 128>}, {pipeline_mode = #tpu.pipeline_mode<synchronous>, transform_indices = @transform_4, window_bounds = array<i64: 128, 128>}, {transform_indices = @transform_5, window_bounds = array<i64: 1000, 128>}, {transform_indices = @transform_6, window_bounds = array<i64: 1000, 1>}]} {
    %get3A = arith.constant 0 : index
    %get3A_0 = arith.constant 0 : index
    %get3A_1 = arith.constant 0 : index
    %get3A_2 = vector.load %arg1[%get3A, %get3A_0, %get3A_1] : memref<2x1000x1xf32, #tpu.memory_space<vmem>>, vector<1x1000x1xf32>
    %get3A_3 = vector.shape_cast %get3A_2 : vector<1x1000x1xf32> to vector<1000x1xf32>
    %get3A_4 = arith.constant 1 : index
    %get3A_5 = arith.constant 0 : index
    %get3A_6 = arith.constant 0 : index
    %get3A_7 = vector.load %arg1[%get3A_4, %get3A_5, %get3A_6] : memref<2x1000x1xf32, #tpu.memory_space<vmem>>, vector<1x1000x1xf32>
    %get3A_8 = vector.shape_cast %get3A_7 : vector<1x1000x1xf32> to vector<1000x1xf32>
    %add3A = arith.addf %get3A_3, %get3A_8 : vector<1000x1xf32>
    %add3A_9 = arith.constant 1.000000e+00 : f32
    %add3A_10 = vector.broadcast %add3A_9 : f32 to vector<1000x1xf32>
    %add3A_11 = arith.addf %add3A, %add3A_10 : vector<1000x1xf32>
    %rsqrt3A = math.rsqrt %add3A_11 : vector<1000x1xf32>
    %get3A_12 = arith.constant 0 : index
    %get3A_13 = arith.constant 0 : index
    %get3A_14 = vector.load %arg2[%get3A_12, %get3A_13] : memref<1000x128xf32, #tpu.memory_space<vmem>>, vector<1000x128xf32>
    %get3A_15 = arith.constant 0 : index
    %get3A_16 = arith.constant 0 : index
    %get3A_17 = vector.load %arg3[%get3A_15, %get3A_16] : memref<128x128xf32, #tpu.memory_space<vmem>>, vector<128x128xf32>
    %dot_general3A = arith.constant dense<0.000000e+00> : vector<1000x128xf32>
    %dot_general3A_18 = tpu.matmul %get3A_14, %get3A_17, %dot_general3A {dimension_numbers = #tpu.dot_dimension_numbers<[1], [0], [0], [1], [0, 0, 1, 1], [], []>, transpose_lhs_hint = false} : vector<1000x128xf32>, vector<128x128xf32>, vector<1000x128xf32> -> vector<1000x128xf32>
    %get3A_19 = arith.constant 0 : index
    %get3A_20 = arith.constant 0 : index
    %get3A_21 = vector.load %arg4[%get3A_19, %get3A_20] : memref<1x128xf32, #tpu.memory_space<vmem>>, vector<1x128xf32>
    %add3A_22 = vector.broadcast %get3A_21 : vector<1x128xf32> to vector<1000x128xf32>
    %add3A_23 = arith.addf %dot_general3A_18, %add3A_22 : vector<1000x128xf32>
    %get3A_24 = arith.constant 0 : index
    %get3A_25 = arith.constant 0 : index
    %get3A_26 = vector.load %arg5[%get3A_24, %get3A_25] : memref<128x128xf32, #tpu.memory_space<vmem>>, vector<128x128xf32>
    %dot_general3A_27 = arith.constant dense<0.000000e+00> : vector<1000x128xf32>
    %dot_general3A_28 = tpu.matmul %add3A_23, %get3A_26, %dot_general3A_27 {dimension_numbers = #tpu.dot_dimension_numbers<[1], [0], [0], [1], [0, 0, 1, 1], [], []>, transpose_lhs_hint = false} : vector<1000x128xf32>, vector<128x128xf32>, vector<1000x128xf32> -> vector<1000x128xf32>
    %mul3A = vector.broadcast %rsqrt3A : vector<1000x1xf32> to vector<1000x128xf32>
    %mul3A_29 = arith.mulf %dot_general3A_28, %mul3A : vector<1000x128xf32>
    %swap3A = arith.constant 0 : index
    %swap3A_30 = arith.constant 0 : index
    %swap3A_31 = vector.load %arg6[%swap3A, %swap3A_30] : memref<1000x128xf32, #tpu.memory_space<vmem>>, vector<1000x128xf32>
    tpu.vector_store %arg6[%swap3A, %swap3A_30], %mul3A_29 {strides = array<i32>} : memref<1000x128xf32, #tpu.memory_space<vmem>>, vector<1000x128xf32>,
    %swap3A_32 = arith.constant 0 : index
    %swap3A_33 = arith.constant 0 : index
    %swap3A_34 = vector.load %arg7[%swap3A_32, %swap3A_33] : memref<1000x1xf32, #tpu.memory_space<vmem>>, vector<1000x1xf32>
    tpu.vector_store %arg7[%swap3A_32, %swap3A_33], %rsqrt3A {strides = array<i32>} : memref<1000x1xf32, #tpu.memory_space<vmem>>, vector<1000x1xf32>,
    return
  }
  func.func @transform_0(%arg0: i32) -> (i32, i32, i32) {
    %c0_i32 = arith.constant 0 : i32
    %c0_i32_0 = arith.constant 0 : i32
    %c0_i32_1 = arith.constant 0 : i32
    return %c0_i32, %arg0, %c0_i32_0 : i32, i32, i32
  }
  func.func @transform_1(%arg0: i32) -> (i32, i32) {
    %c0_i32 = arith.constant 0 : i32
    %c0_i32_0 = arith.constant 0 : i32
    return %arg0, %c0_i32 : i32, i32
  }
  func.func @transform_2(%arg0: i32) -> (i32, i32) {
    %c0_i32 = arith.constant 0 : i32
    %c0_i32_0 = arith.constant 0 : i32
    %c0_i32_1 = arith.constant 0 : i32
    return %c0_i32, %c0_i32_0 : i32, i32
  }
  func.func @transform_3(%arg0: i32) -> (i32, i32) {
    %c0_i32 = arith.constant 0 : i32
    %c0_i32_0 = arith.constant 0 : i32
    %c0_i32_1 = arith.constant 0 : i32
    return %c0_i32, %c0_i32_0 : i32, i32
  }
  func.func @transform_4(%arg0: i32) -> (i32, i32) {
    %c0_i32 = arith.constant 0 : i32
    %c0_i32_0 = arith.constant 0 : i32
    %c0_i32_1 = arith.constant 0 : i32
    return %c0_i32, %c0_i32_0 : i32, i32
  }
  func.func @transform_5(%arg0: i32) -> (i32, i32) {
    %c0_i32 = arith.constant 0 : i32
    %c0_i32_0 = arith.constant 0 : i32
    return %arg0, %c0_i32 : i32, i32
  }
  func.func @transform_6(%arg0: i32) -> (i32, i32) {
    %c0_i32 = arith.constant 0 : i32
    %c0_i32_0 = arith.constant 0 : i32
    return %arg0, %c0_i32 : i32, i32
  }
}

module attributes {stable_mosaic.version = 14 : i64} {
  func.func @_k2_body(%arg0: i32, %arg1: memref<2x1000x128xf32, #tpu.memory_space<vmem>>, %arg2: memref<1000x128xf32, #tpu.memory_space<vmem>>, %arg3: memref<1000x1xf32, #tpu.memory_space<vmem>>, %arg4: memref<1x128xf32, #tpu.memory_space<vmem>>, %arg5: memref<128x384xf32, #tpu.memory_space<vmem>>, %arg6: memref<1x384xf32, #tpu.memory_space<vmem>>, %arg7: memref<1000x384xf32, #tpu.memory_space<vmem>>) attributes {dimension_semantics = [#tpu.dimension_semantics<arbitrary>], iteration_bounds = array<i64: 10>, scalar_prefetch = 0 : i64, scratch_operands = 0 : i64, tpu.core_type = #tpu.core_type<tc>, window_params = [{transform_indices = @transform_0, window_bounds = array<i64: 2, 1000, 128>}, {transform_indices = @transform_1, window_bounds = array<i64: 1000, 128>}, {transform_indices = @transform_2, window_bounds = array<i64: 1000, 1>}, {pipeline_mode = #tpu.pipeline_mode<synchronous>, transform_indices = @transform_3, window_bounds = array<i64: 1, 128>}, {pipeline_mode = #tpu.pipeline_mode<synchronous>, transform_indices = @transform_4, window_bounds = array<i64: 128, 384>}, {pipeline_mode = #tpu.pipeline_mode<synchronous>, transform_indices = @transform_5, window_bounds = array<i64: 1, 384>}, {transform_indices = @transform_6, window_bounds = array<i64: 1000, 384>}]} {
    %get3A = arith.constant 0 : index
    %get3A_0 = arith.constant 0 : index
    %get3A_1 = arith.constant 0 : index
    %get3A_2 = vector.load %arg1[%get3A, %get3A_0, %get3A_1] : memref<2x1000x128xf32, #tpu.memory_space<vmem>>, vector<1x1000x128xf32>
    %get3A_3 = vector.shape_cast %get3A_2 : vector<1x1000x128xf32> to vector<1000x128xf32>
    %get3A_4 = arith.constant 1 : index
    %get3A_5 = arith.constant 0 : index
    %get3A_6 = arith.constant 0 : index
    %get3A_7 = vector.load %arg1[%get3A_4, %get3A_5, %get3A_6] : memref<2x1000x128xf32, #tpu.memory_space<vmem>>, vector<1x1000x128xf32>
    %get3A_8 = vector.shape_cast %get3A_7 : vector<1x1000x128xf32> to vector<1000x128xf32>
    %add3A = arith.addf %get3A_3, %get3A_8 : vector<1000x128xf32>
    %get3A_9 = arith.constant 0 : index
    %get3A_10 = arith.constant 0 : index
    %get3A_11 = vector.load %arg2[%get3A_9, %get3A_10] : memref<1000x128xf32, #tpu.memory_space<vmem>>, vector<1000x128xf32>
    %add3A_12 = arith.addf %add3A, %get3A_11 : vector<1000x128xf32>
    %get3A_13 = arith.constant 0 : index
    %get3A_14 = arith.constant 0 : index
    %get3A_15 = vector.load %arg3[%get3A_13, %get3A_14] : memref<1000x1xf32, #tpu.memory_space<vmem>>, vector<1000x1xf32>
    %mul3A = vector.broadcast %get3A_15 : vector<1000x1xf32> to vector<1000x128xf32>
    %mul3A_16 = arith.mulf %add3A_12, %mul3A : vector<1000x128xf32>
    %get3A_17 = arith.constant 0 : index
    %get3A_18 = arith.constant 0 : index
    %get3A_19 = vector.load %arg4[%get3A_17, %get3A_18] : memref<1x128xf32, #tpu.memory_space<vmem>>, vector<1x128xf32>
    %add3A_20 = vector.broadcast %get3A_19 : vector<1x128xf32> to vector<1000x128xf32>
    %add3A_21 = arith.addf %mul3A_16, %add3A_20 : vector<1000x128xf32>
    %get3A_22 = arith.constant 0 : index
    %get3A_23 = arith.constant 0 : index
    %get3A_24 = vector.load %arg5[%get3A_22, %get3A_23] : memref<128x384xf32, #tpu.memory_space<vmem>>, vector<128x384xf32>
    %dot_general3A = arith.constant dense<0.000000e+00> : vector<1000x384xf32>
    %dot_general3A_25 = tpu.matmul %add3A_21, %get3A_24, %dot_general3A {dimension_numbers = #tpu.dot_dimension_numbers<[1], [0], [0], [1], [0, 0, 1, 1], [], []>, transpose_lhs_hint = false} : vector<1000x128xf32>, vector<128x384xf32>, vector<1000x384xf32> -> vector<1000x384xf32>
    %get3A_26 = arith.constant 0 : index
    %get3A_27 = arith.constant 0 : index
    %get3A_28 = vector.load %arg6[%get3A_26, %get3A_27] : memref<1x384xf32, #tpu.memory_space<vmem>>, vector<1x384xf32>
    %add3A_29 = vector.broadcast %get3A_28 : vector<1x384xf32> to vector<1000x384xf32>
    %add3A_30 = arith.addf %dot_general3A_25, %add3A_29 : vector<1000x384xf32>
    %swap3A = arith.constant 0 : index
    %swap3A_31 = arith.constant 0 : index
    %swap3A_32 = vector.load %arg7[%swap3A, %swap3A_31] : memref<1000x384xf32, #tpu.memory_space<vmem>>, vector<1000x384xf32>
    tpu.vector_store %arg7[%swap3A, %swap3A_31], %add3A_30 {strides = array<i32>} : memref<1000x384xf32, #tpu.memory_space<vmem>>, vector<1000x384xf32>,
    return
  }
  func.func @transform_0(%arg0: i32) -> (i32, i32, i32) {
    %c0_i32 = arith.constant 0 : i32
    %c0_i32_0 = arith.constant 0 : i32
    %c0_i32_1 = arith.constant 0 : i32
    return %c0_i32, %arg0, %c0_i32_0 : i32, i32, i32
  }
  func.func @transform_1(%arg0: i32) -> (i32, i32) {
    %c0_i32 = arith.constant 0 : i32
    %c0_i32_0 = arith.constant 0 : i32
    return %arg0, %c0_i32 : i32, i32
  }
  func.func @transform_2(%arg0: i32) -> (i32, i32) {
    %c0_i32 = arith.constant 0 : i32
    %c0_i32_0 = arith.constant 0 : i32
    return %arg0, %c0_i32 : i32, i32
  }
  func.func @transform_3(%arg0: i32) -> (i32, i32) {
    %c0_i32 = arith.constant 0 : i32
    %c0_i32_0 = arith.constant 0 : i32
    %c0_i32_1 = arith.constant 0 : i32
    return %c0_i32, %c0_i32_0 : i32, i32
  }
  func.func @transform_4(%arg0: i32) -> (i32, i32) {
    %c0_i32 = arith.constant 0 : i32
    %c0_i32_0 = arith.constant 0 : i32
    %c0_i32_1 = arith.constant 0 : i32
    return %c0_i32, %c0_i32_0 : i32, i32
  }
  func.func @transform_5(%arg0: i32) -> (i32, i32) {
    %c0_i32 = arith.constant 0 : i32
    %c0_i32_0 = arith.constant 0 : i32
    %c0_i32_1 = arith.constant 0 : i32
    return %c0_i32, %c0_i32_0 : i32, i32
  }
  func.func @transform_6(%arg0: i32) -> (i32, i32) {
    %c0_i32 = arith.constant 0 : i32
    %c0_i32_0 = arith.constant 0 : i32
    return %arg0, %c0_i32 : i32, i32
  }
}

module attributes {stable_mosaic.version = 14 : i64} {
  func.func @_k3_body(%arg0: i32, %arg1: memref<1000x384xf32, #tpu.memory_space<vmem>>, %arg2: memref<128x384xf32, #tpu.memory_space<vmem>>, %arg3: memref<1x128xf32, #tpu.memory_space<vmem>>, %arg4: memref<128x1xf32, #tpu.memory_space<vmem>>, %arg5: memref<1x1xf32, #tpu.memory_space<vmem>>, %arg6: memref<1000x1xf32, #tpu.memory_space<vmem>>, %arg7: memref<8x128xf32, #tpu.memory_space<vmem>>, %arg8: memref<1000x128xf32, #tpu.memory_space<vmem>>) attributes {dimension_semantics = [#tpu.dimension_semantics<arbitrary>], iteration_bounds = array<i64: 10>, scalar_prefetch = 0 : i64, scratch_operands = 2 : i64, tpu.core_type = #tpu.core_type<tc>, window_params = [{transform_indices = @transform_0, window_bounds = array<i64: 1000, 384>}, {pipeline_mode = #tpu.pipeline_mode<synchronous>, transform_indices = @transform_1, window_bounds = array<i64: 128, 384>}, {pipeline_mode = #tpu.pipeline_mode<synchronous>, transform_indices = @transform_2, window_bounds = array<i64: 1, 128>}, {pipeline_mode = #tpu.pipeline_mode<synchronous>, transform_indices = @transform_3, window_bounds = array<i64: 128, 1>}, {pipeline_mode = #tpu.pipeline_mode<synchronous>, transform_indices = @transform_4, window_bounds = array<i64: 1, 1>}, {transform_indices = @transform_5, window_bounds = array<i64: 1000, 1>}]} {
    %eq3A = arith.constant 0 : i32
    %eq3A_0 = arith.cmpi eq, %arg0, %eq3A : i32
    %convert_element_type3A = arith.extui %eq3A_0 : i1 to i32
    %cond3A = arith.constant 0 : i32
    %cond3A_1 = arith.cmpi ne, %convert_element_type3A, %cond3A : i32
    scf.if %cond3A_1 {
      %broadcast_in_dim3A = arith.constant 0.000000e+00 : f32
      %broadcast_in_dim3A_31 = vector.broadcast %broadcast_in_dim3A : f32 to vector<8x128xf32>
      %swap3A_32 = arith.constant 0 : index
      %swap3A_33 = arith.constant 0 : index
      %swap3A_34 = vector.load %arg7[%swap3A_32, %swap3A_33] : memref<8x128xf32, #tpu.memory_space<vmem>>, vector<8x128xf32>
      tpu.vector_store %arg7[%swap3A_32, %swap3A_33], %broadcast_in_dim3A_31 {strides = array<i32>} : memref<8x128xf32, #tpu.memory_space<vmem>>, vector<8x128xf32>,
    } else {
    }
    %get3A = arith.constant 0 : index
    %get3A_2 = arith.constant 0 : index
    %get3A_3 = vector.load %arg2[%get3A, %get3A_2] : memref<128x384xf32, #tpu.memory_space<vmem>>, vector<128x384xf32>
    %get3A_4 = arith.constant 0 : index
    %get3A_5 = arith.constant 0 : index
    %get3A_6 = vector.load %arg3[%get3A_4, %get3A_5] : memref<1x128xf32, #tpu.memory_space<vmem>>, vector<1x128xf32>
    %get3A_7 = arith.constant 0 : index
    %get3A_8 = arith.constant 0 : index
    %get3A_9 = vector.load %arg7[%get3A_7, %get3A_8] : memref<8x128xf32, #tpu.memory_space<vmem>>, vector<8x128xf32>
    %scan3A = arith.constant 0 : i32
    %scan3A_10 = arith.constant 125 : i32
    %scan3A_11 = arith.addi %scan3A, %scan3A_10 : i32
    %scan3A_12 = arith.constant 1 : i32
    %scan3A_13 = scf.for %scan3A_31 = %scan3A to %scan3A_11 step %scan3A_12 iter_args(%scan3A_32 = %get3A_9) -> (vector<8x128xf32>)  : i32 {
      %mul3A = arith.constant 8 : i32
      %mul3A_33 = arith.muli %scan3A_31, %mul3A : i32
      %multiple_of3A = tpu.assume_multiple %mul3A_33, 8 : i32
      %get3A_34 = arith.index_cast %multiple_of3A : i32 to index
      %get3A_35 = arith.constant 0 : index
      %get3A_36 = vector.load %arg1[%get3A_34, %get3A_35] : memref<1000x384xf32, #tpu.memory_space<vmem>>, vector<8x384xf32>
      %dot_general3A_37 = arith.constant dense<0.000000e+00> : vector<8x384xf32>
      %dot_general3A_38 = tpu.matmul %scan3A_32, %get3A_3, %dot_general3A_37 {dimension_numbers = #tpu.dot_dimension_numbers<[1], [0], [0], [1], [0, 0, 1, 1], [], []>, transpose_lhs_hint = false} : vector<8x128xf32>, vector<128x384xf32>, vector<8x384xf32> -> vector<8x384xf32>
      %slice3A = vector.extract_strided_slice %get3A_36 {offsets = [0, 0], sizes = [1, 384], strides = [1, 1]} : vector<8x384xf32> to vector<1x384xf32>
      %add3A_39 = vector.broadcast %slice3A : vector<1x384xf32> to vector<8x384xf32>
      %add3A_40 = arith.addf %add3A_39, %dot_general3A_38 : vector<8x384xf32>
      %slice3A_41 = vector.extract_strided_slice %add3A_40 {offsets = [0, 0], sizes = [8, 128], strides = [1, 1]} : vector<8x384xf32> to vector<8x128xf32>
      %logistic3A = arith.negf %slice3A_41 : vector<8x128xf32>
      %logistic3A_42 = math.exp %logistic3A : vector<8x128xf32>
      %logistic3A_43 = arith.constant 1.000000e+00 : f32
      %logistic3A_44 = vector.broadcast %logistic3A_43 : f32 to vector<8x128xf32>
      %logistic3A_45 = arith.addf %logistic3A_44, %logistic3A_42 : vector<8x128xf32>
      %logistic3A_46 = arith.divf %logistic3A_44, %logistic3A_45 : vector<8x128xf32>
      %slice3A_47 = vector.extract_strided_slice %add3A_40 {offsets = [0, 128], sizes = [8, 128], strides = [1, 1]} : vector<8x384xf32> to vector<8x128xf32>
      %logistic3A_48 = arith.negf %slice3A_47 : vector<8x128xf32>
      %logistic3A_49 = math.exp %logistic3A_48 : vector<8x128xf32>
      %logistic3A_50 = arith.constant 1.000000e+00 : f32
      %logistic3A_51 = vector.broadcast %logistic3A_50 : f32 to vector<8x128xf32>
      %logistic3A_52 = arith.addf %logistic3A_51, %logistic3A_49 : vector<8x128xf32>
      %logistic3A_53 = arith.divf %logistic3A_51, %logistic3A_52 : vector<8x128xf32>
      %slice3A_54 = vector.extract_strided_slice %dot_general3A_38 {offsets = [0, 256], sizes = [8, 128], strides = [1, 1]} : vector<8x384xf32> to vector<8x128xf32>
      %add3A_55 = vector.broadcast %get3A_6 : vector<1x128xf32> to vector<8x128xf32>
      %add3A_56 = arith.addf %slice3A_54, %add3A_55 : vector<8x128xf32>
      %slice3A_57 = vector.extract_strided_slice %get3A_36 {offsets = [0, 256], sizes = [1, 128], strides = [1, 1]} : vector<8x384xf32> to vector<1x128xf32>
      %mul3A_58 = arith.mulf %add3A_56, %logistic3A_46 : vector<8x128xf32>
      %add3A_59 = vector.broadcast %slice3A_57 : vector<1x128xf32> to vector<8x128xf32>
      %add3A_60 = arith.addf %add3A_59, %mul3A_58 : vector<8x128xf32>
      %tanh3A = math.tanh %add3A_60 : vector<8x128xf32>
      %sub3A = arith.subf %scan3A_32, %tanh3A : vector<8x128xf32>
      %mul3A_61 = arith.mulf %logistic3A_53, %sub3A : vector<8x128xf32>
      %add3A_62 = arith.addf %tanh3A, %mul3A_61 : vector<8x128xf32>
      %slice3A_63 = vector.extract_strided_slice %add3A_62 {offsets = [0, 0], sizes = [1, 128], strides = [1, 1]} : vector<8x128xf32> to vector<1x128xf32>
      %dot_general3A_64 = arith.constant dense<0.000000e+00> : vector<8x384xf32>
      %dot_general3A_65 = tpu.matmul %add3A_62, %get3A_3, %dot_general3A_64 {dimension_numbers = #tpu.dot_dimension_numbers<[1], [0], [0], [1], [0, 0, 1, 1], [], []>, transpose_lhs_hint = false} : vector<8x128xf32>, vector<128x384xf32>, vector<8x384xf32> -> vector<8x384xf32>
      %slice3A_66 = vector.extract_strided_slice %get3A_36 {offsets = [1, 0], sizes = [1, 384], strides = [1, 1]} : vector<8x384xf32> to vector<1x384xf32>
      %add3A_67 = vector.broadcast %slice3A_66 : vector<1x384xf32> to vector<8x384xf32>
      %add3A_68 = arith.addf %add3A_67, %dot_general3A_65 : vector<8x384xf32>
      %slice3A_69 = vector.extract_strided_slice %add3A_68 {offsets = [0, 0], sizes = [8, 128], strides = [1, 1]} : vector<8x384xf32> to vector<8x128xf32>
      %logistic3A_70 = arith.negf %slice3A_69 : vector<8x128xf32>
      %logistic3A_71 = math.exp %logistic3A_70 : vector<8x128xf32>
      %logistic3A_72 = arith.constant 1.000000e+00 : f32
      %logistic3A_73 = vector.broadcast %logistic3A_72 : f32 to vector<8x128xf32>
      %logistic3A_74 = arith.addf %logistic3A_73, %logistic3A_71 : vector<8x128xf32>
      %logistic3A_75 = arith.divf %logistic3A_73, %logistic3A_74 : vector<8x128xf32>
      %slice3A_76 = vector.extract_strided_slice %add3A_68 {offsets = [0, 128], sizes = [8, 128], strides = [1, 1]} : vector<8x384xf32> to vector<8x128xf32>
      %logistic3A_77 = arith.negf %slice3A_76 : vector<8x128xf32>
      %logistic3A_78 = math.exp %logistic3A_77 : vector<8x128xf32>
      %logistic3A_79 = arith.constant 1.000000e+00 : f32
      %logistic3A_80 = vector.broadcast %logistic3A_79 : f32 to vector<8x128xf32>
      %logistic3A_81 = arith.addf %logistic3A_80, %logistic3A_78 : vector<8x128xf32>
      %logistic3A_82 = arith.divf %logistic3A_80, %logistic3A_81 : vector<8x128xf32>
      %slice3A_83 = vector.extract_strided_slice %dot_general3A_65 {offsets = [0, 256], sizes = [8, 128], strides = [1, 1]} : vector<8x384xf32> to vector<8x128xf32>
      %add3A_84 = vector.broadcast %get3A_6 : vector<1x128xf32> to vector<8x128xf32>
      %add3A_85 = arith.addf %slice3A_83, %add3A_84 : vector<8x128xf32>
      %slice3A_86 = vector.extract_strided_slice %get3A_36 {offsets = [1, 256], sizes = [1, 128], strides = [1, 1]} : vector<8x384xf32> to vector<1x128xf32>
      %mul3A_87 = arith.mulf %add3A_85, %logistic3A_75 : vector<8x128xf32>
      %add3A_88 = vector.broadcast %slice3A_86 : vector<1x128xf32> to vector<8x128xf32>
      %add3A_89 = arith.addf %add3A_88, %mul3A_87 : vector<8x128xf32>
      %tanh3A_90 = math.tanh %add3A_89 : vector<8x128xf32>
      %sub3A_91 = arith.subf %add3A_62, %tanh3A_90 : vector<8x128xf32>
      %mul3A_92 = arith.mulf %logistic3A_82, %sub3A_91 : vector<8x128xf32>
      %add3A_93 = arith.addf %tanh3A_90, %mul3A_92 : vector<8x128xf32>
      %slice3A_94 = vector.extract_strided_slice %add3A_93 {offsets = [0, 0], sizes = [1, 128], strides = [1, 1]} : vector<8x128xf32> to vector<1x128xf32>
      %dot_general3A_95 = arith.constant dense<0.000000e+00> : vector<8x384xf32>
      %dot_general3A_96 = tpu.matmul %add3A_93, %get3A_3, %dot_general3A_95 {dimension_numbers = #tpu.dot_dimension_numbers<[1], [0], [0], [1], [0, 0, 1, 1], [], []>, transpose_lhs_hint = false} : vector<8x128xf32>, vector<128x384xf32>, vector<8x384xf32> -> vector<8x384xf32>
      %slice3A_97 = vector.extract_strided_slice %get3A_36 {offsets = [2, 0], sizes = [1, 384], strides = [1, 1]} : vector<8x384xf32> to vector<1x384xf32>
      %add3A_98 = vector.broadcast %slice3A_97 : vector<1x384xf32> to vector<8x384xf32>
      %add3A_99 = arith.addf %add3A_98, %dot_general3A_96 : vector<8x384xf32>
      %slice3A_100 = vector.extract_strided_slice %add3A_99 {offsets = [0, 0], sizes = [8, 128], strides = [1, 1]} : vector<8x384xf32> to vector<8x128xf32>
      %logistic3A_101 = arith.negf %slice3A_100 : vector<8x128xf32>
      %logistic3A_102 = math.exp %logistic3A_101 : vector<8x128xf32>
      %logistic3A_103 = arith.constant 1.000000e+00 : f32
      %logistic3A_104 = vector.broadcast %logistic3A_103 : f32 to vector<8x128xf32>
      %logistic3A_105 = arith.addf %logistic3A_104, %logistic3A_102 : vector<8x128xf32>
      %logistic3A_106 = arith.divf %logistic3A_104, %logistic3A_105 : vector<8x128xf32>
      %slice3A_107 = vector.extract_strided_slice %add3A_99 {offsets = [0, 128], sizes = [8, 128], strides = [1, 1]} : vector<8x384xf32> to vector<8x128xf32>
      %logistic3A_108 = arith.negf %slice3A_107 : vector<8x128xf32>
      %logistic3A_109 = math.exp %logistic3A_108 : vector<8x128xf32>
      %logistic3A_110 = arith.constant 1.000000e+00 : f32
      %logistic3A_111 = vector.broadcast %logistic3A_110 : f32 to vector<8x128xf32>
      %logistic3A_112 = arith.addf %logistic3A_111, %logistic3A_109 : vector<8x128xf32>
      %logistic3A_113 = arith.divf %logistic3A_111, %logistic3A_112 : vector<8x128xf32>
      %slice3A_114 = vector.extract_strided_slice %dot_general3A_96 {offsets = [0, 256], sizes = [8, 128], strides = [1, 1]} : vector<8x384xf32> to vector<8x128xf32>
      %add3A_115 = vector.broadcast %get3A_6 : vector<1x128xf32> to vector<8x128xf32>
      %add3A_116 = arith.addf %slice3A_114, %add3A_115 : vector<8x128xf32>
      %slice3A_117 = vector.extract_strided_slice %get3A_36 {offsets = [2, 256], sizes = [1, 128], strides = [1, 1]} : vector<8x384xf32> to vector<1x128xf32>
      %mul3A_118 = arith.mulf %add3A_116, %logistic3A_106 : vector<8x128xf32>
      %add3A_119 = vector.broadcast %slice3A_117 : vector<1x128xf32> to vector<8x128xf32>
      %add3A_120 = arith.addf %add3A_119, %mul3A_118 : vector<8x128xf32>
      %tanh3A_121 = math.tanh %add3A_120 : vector<8x128xf32>
      %sub3A_122 = arith.subf %add3A_93, %tanh3A_121 : vector<8x128xf32>
      %mul3A_123 = arith.mulf %logistic3A_113, %sub3A_122 : vector<8x128xf32>
      %add3A_124 = arith.addf %tanh3A_121, %mul3A_123 : vector<8x128xf32>
      %slice3A_125 = vector.extract_strided_slice %add3A_124 {offsets = [0, 0], sizes = [1, 128], strides = [1, 1]} : vector<8x128xf32> to vector<1x128xf32>
      %dot_general3A_126 = arith.constant dense<0.000000e+00> : vector<8x384xf32>
      %dot_general3A_127 = tpu.matmul %add3A_124, %get3A_3, %dot_general3A_126 {dimension_numbers = #tpu.dot_dimension_numbers<[1], [0], [0], [1], [0, 0, 1, 1], [], []>, transpose_lhs_hint = false} : vector<8x128xf32>, vector<128x384xf32>, vector<8x384xf32> -> vector<8x384xf32>
      %slice3A_128 = vector.extract_strided_slice %get3A_36 {offsets = [3, 0], sizes = [1, 384], strides = [1, 1]} : vector<8x384xf32> to vector<1x384xf32>
      %add3A_129 = vector.broadcast %slice3A_128 : vector<1x384xf32> to vector<8x384xf32>
      %add3A_130 = arith.addf %add3A_129, %dot_general3A_127 : vector<8x384xf32>
      %slice3A_131 = vector.extract_strided_slice %add3A_130 {offsets = [0, 0], sizes = [8, 128], strides = [1, 1]} : vector<8x384xf32> to vector<8x128xf32>
      %logistic3A_132 = arith.negf %slice3A_131 : vector<8x128xf32>
      %logistic3A_133 = math.exp %logistic3A_132 : vector<8x128xf32>
      %logistic3A_134 = arith.constant 1.000000e+00 : f32
      %logistic3A_135 = vector.broadcast %logistic3A_134 : f32 to vector<8x128xf32>
      %logistic3A_136 = arith.addf %logistic3A_135, %logistic3A_133 : vector<8x128xf32>
      %logistic3A_137 = arith.divf %logistic3A_135, %logistic3A_136 : vector<8x128xf32>
      %slice3A_138 = vector.extract_strided_slice %add3A_130 {offsets = [0, 128], sizes = [8, 128], strides = [1, 1]} : vector<8x384xf32> to vector<8x128xf32>
      %logistic3A_139 = arith.negf %slice3A_138 : vector<8x128xf32>
      %logistic3A_140 = math.exp %logistic3A_139 : vector<8x128xf32>
      %logistic3A_141 = arith.constant 1.000000e+00 : f32
      %logistic3A_142 = vector.broadcast %logistic3A_141 : f32 to vector<8x128xf32>
      %logistic3A_143 = arith.addf %logistic3A_142, %logistic3A_140 : vector<8x128xf32>
      %logistic3A_144 = arith.divf %logistic3A_142, %logistic3A_143 : vector<8x128xf32>
      %slice3A_145 = vector.extract_strided_slice %dot_general3A_127 {offsets = [0, 256], sizes = [8, 128], strides = [1, 1]} : vector<8x384xf32> to vector<8x128xf32>
      %add3A_146 = vector.broadcast %get3A_6 : vector<1x128xf32> to vector<8x128xf32>
      %add3A_147 = arith.addf %slice3A_145, %add3A_146 : vector<8x128xf32>
      %slice3A_148 = vector.extract_strided_slice %get3A_36 {offsets = [3, 256], sizes = [1, 128], strides = [1, 1]} : vector<8x384xf32> to vector<1x128xf32>
      %mul3A_149 = arith.mulf %add3A_147, %logistic3A_137 : vector<8x128xf32>
      %add3A_150 = vector.broadcast %slice3A_148 : vector<1x128xf32> to vector<8x128xf32>
      %add3A_151 = arith.addf %add3A_150, %mul3A_149 : vector<8x128xf32>
      %tanh3A_152 = math.tanh %add3A_151 : vector<8x128xf32>
      %sub3A_153 = arith.subf %add3A_124, %tanh3A_152 : vector<8x128xf32>
      %mul3A_154 = arith.mulf %logistic3A_144, %sub3A_153 : vector<8x128xf32>
      %add3A_155 = arith.addf %tanh3A_152, %mul3A_154 : vector<8x128xf32>
      %slice3A_156 = vector.extract_strided_slice %add3A_155 {offsets = [0, 0], sizes = [1, 128], strides = [1, 1]} : vector<8x128xf32> to vector<1x128xf32>
      %dot_general3A_157 = arith.constant dense<0.000000e+00> : vector<8x384xf32>
      %dot_general3A_158 = tpu.matmul %add3A_155, %get3A_3, %dot_general3A_157 {dimension_numbers = #tpu.dot_dimension_numbers<[1], [0], [0], [1], [0, 0, 1, 1], [], []>, transpose_lhs_hint = false} : vector<8x128xf32>, vector<128x384xf32>, vector<8x384xf32> -> vector<8x384xf32>
      %slice3A_159 = vector.extract_strided_slice %get3A_36 {offsets = [4, 0], sizes = [1, 384], strides = [1, 1]} : vector<8x384xf32> to vector<1x384xf32>
      %add3A_160 = vector.broadcast %slice3A_159 : vector<1x384xf32> to vector<8x384xf32>
      %add3A_161 = arith.addf %add3A_160, %dot_general3A_158 : vector<8x384xf32>
      %slice3A_162 = vector.extract_strided_slice %add3A_161 {offsets = [0, 0], sizes = [8, 128], strides = [1, 1]} : vector<8x384xf32> to vector<8x128xf32>
      %logistic3A_163 = arith.negf %slice3A_162 : vector<8x128xf32>
      %logistic3A_164 = math.exp %logistic3A_163 : vector<8x128xf32>
      %logistic3A_165 = arith.constant 1.000000e+00 : f32
      %logistic3A_166 = vector.broadcast %logistic3A_165 : f32 to vector<8x128xf32>
      %logistic3A_167 = arith.addf %logistic3A_166, %logistic3A_164 : vector<8x128xf32>
      %logistic3A_168 = arith.divf %logistic3A_166, %logistic3A_167 : vector<8x128xf32>
      %slice3A_169 = vector.extract_strided_slice %add3A_161 {offsets = [0, 128], sizes = [8, 128], strides = [1, 1]} : vector<8x384xf32> to vector<8x128xf32>
      %logistic3A_170 = arith.negf %slice3A_169 : vector<8x128xf32>
      %logistic3A_171 = math.exp %logistic3A_170 : vector<8x128xf32>
      %logistic3A_172 = arith.constant 1.000000e+00 : f32
      %logistic3A_173 = vector.broadcast %logistic3A_172 : f32 to vector<8x128xf32>
      %logistic3A_174 = arith.addf %logistic3A_173, %logistic3A_171 : vector<8x128xf32>
      %logistic3A_175 = arith.divf %logistic3A_173, %logistic3A_174 : vector<8x128xf32>
      %slice3A_176 = vector.extract_strided_slice %dot_general3A_158 {offsets = [0, 256], sizes = [8, 128], strides = [1, 1]} : vector<8x384xf32> to vector<8x128xf32>
      %add3A_177 = vector.broadcast %get3A_6 : vector<1x128xf32> to vector<8x128xf32>
      %add3A_178 = arith.addf %slice3A_176, %add3A_177 : vector<8x128xf32>
      %slice3A_179 = vector.extract_strided_slice %get3A_36 {offsets = [4, 256], sizes = [1, 128], strides = [1, 1]} : vector<8x384xf32> to vector<1x128xf32>
      %mul3A_180 = arith.mulf %add3A_178, %logistic3A_168 : vector<8x128xf32>
      %add3A_181 = vector.broadcast %slice3A_179 : vector<1x128xf32> to vector<8x128xf32>
      %add3A_182 = arith.addf %add3A_181, %mul3A_180 : vector<8x128xf32>
      %tanh3A_183 = math.tanh %add3A_182 : vector<8x128xf32>
      %sub3A_184 = arith.subf %add3A_155, %tanh3A_183 : vector<8x128xf32>
      %mul3A_185 = arith.mulf %logistic3A_175, %sub3A_184 : vector<8x128xf32>
      %add3A_186 = arith.addf %tanh3A_183, %mul3A_185 : vector<8x128xf32>
      %slice3A_187 = vector.extract_strided_slice %add3A_186 {offsets = [0, 0], sizes = [1, 128], strides = [1, 1]} : vector<8x128xf32> to vector<1x128xf32>
      %dot_general3A_188 = arith.constant dense<0.000000e+00> : vector<8x384xf32>
      %dot_general3A_189 = tpu.matmul %add3A_186, %get3A_3, %dot_general3A_188 {dimension_numbers = #tpu.dot_dimension_numbers<[1], [0], [0], [1], [0, 0, 1, 1], [], []>, transpose_lhs_hint = false} : vector<8x128xf32>, vector<128x384xf32>, vector<8x384xf32> -> vector<8x384xf32>
      %slice3A_190 = vector.extract_strided_slice %get3A_36 {offsets = [5, 0], sizes = [1, 384], strides = [1, 1]} : vector<8x384xf32> to vector<1x384xf32>
      %add3A_191 = vector.broadcast %slice3A_190 : vector<1x384xf32> to vector<8x384xf32>
      %add3A_192 = arith.addf %add3A_191, %dot_general3A_189 : vector<8x384xf32>
      %slice3A_193 = vector.extract_strided_slice %add3A_192 {offsets = [0, 0], sizes = [8, 128], strides = [1, 1]} : vector<8x384xf32> to vector<8x128xf32>
      %logistic3A_194 = arith.negf %slice3A_193 : vector<8x128xf32>
      %logistic3A_195 = math.exp %logistic3A_194 : vector<8x128xf32>
      %logistic3A_196 = arith.constant 1.000000e+00 : f32
      %logistic3A_197 = vector.broadcast %logistic3A_196 : f32 to vector<8x128xf32>
      %logistic3A_198 = arith.addf %logistic3A_197, %logistic3A_195 : vector<8x128xf32>
      %logistic3A_199 = arith.divf %logistic3A_197, %logistic3A_198 : vector<8x128xf32>
      %slice3A_200 = vector.extract_strided_slice %add3A_192 {offsets = [0, 128], sizes = [8, 128], strides = [1, 1]} : vector<8x384xf32> to vector<8x128xf32>
      %logistic3A_201 = arith.negf %slice3A_200 : vector<8x128xf32>
      %logistic3A_202 = math.exp %logistic3A_201 : vector<8x128xf32>
      %logistic3A_203 = arith.constant 1.000000e+00 : f32
      %logistic3A_204 = vector.broadcast %logistic3A_203 : f32 to vector<8x128xf32>
      %logistic3A_205 = arith.addf %logistic3A_204, %logistic3A_202 : vector<8x128xf32>
      %logistic3A_206 = arith.divf %logistic3A_204, %logistic3A_205 : vector<8x128xf32>
      %slice3A_207 = vector.extract_strided_slice %dot_general3A_189 {offsets = [0, 256], sizes = [8, 128], strides = [1, 1]} : vector<8x384xf32> to vector<8x128xf32>
      %add3A_208 = vector.broadcast %get3A_6 : vector<1x128xf32> to vector<8x128xf32>
      %add3A_209 = arith.addf %slice3A_207, %add3A_208 : vector<8x128xf32>
      %slice3A_210 = vector.extract_strided_slice %get3A_36 {offsets = [5, 256], sizes = [1, 128], strides = [1, 1]} : vector<8x384xf32> to vector<1x128xf32>
      %mul3A_211 = arith.mulf %add3A_209, %logistic3A_199 : vector<8x128xf32>
      %add3A_212 = vector.broadcast %slice3A_210 : vector<1x128xf32> to vector<8x128xf32>
      %add3A_213 = arith.addf %add3A_212, %mul3A_211 : vector<8x128xf32>
      %tanh3A_214 = math.tanh %add3A_213 : vector<8x128xf32>
      %sub3A_215 = arith.subf %add3A_186, %tanh3A_214 : vector<8x128xf32>
      %mul3A_216 = arith.mulf %logistic3A_206, %sub3A_215 : vector<8x128xf32>
      %add3A_217 = arith.addf %tanh3A_214, %mul3A_216 : vector<8x128xf32>
      %slice3A_218 = vector.extract_strided_slice %add3A_217 {offsets = [0, 0], sizes = [1, 128], strides = [1, 1]} : vector<8x128xf32> to vector<1x128xf32>
      %dot_general3A_219 = arith.constant dense<0.000000e+00> : vector<8x384xf32>
      %dot_general3A_220 = tpu.matmul %add3A_217, %get3A_3, %dot_general3A_219 {dimension_numbers = #tpu.dot_dimension_numbers<[1], [0], [0], [1], [0, 0, 1, 1], [], []>, transpose_lhs_hint = false} : vector<8x128xf32>, vector<128x384xf32>, vector<8x384xf32> -> vector<8x384xf32>
      %slice3A_221 = vector.extract_strided_slice %get3A_36 {offsets = [6, 0], sizes = [1, 384], strides = [1, 1]} : vector<8x384xf32> to vector<1x384xf32>
      %add3A_222 = vector.broadcast %slice3A_221 : vector<1x384xf32> to vector<8x384xf32>
      %add3A_223 = arith.addf %add3A_222, %dot_general3A_220 : vector<8x384xf32>
      %slice3A_224 = vector.extract_strided_slice %add3A_223 {offsets = [0, 0], sizes = [8, 128], strides = [1, 1]} : vector<8x384xf32> to vector<8x128xf32>
      %logistic3A_225 = arith.negf %slice3A_224 : vector<8x128xf32>
      %logistic3A_226 = math.exp %logistic3A_225 : vector<8x128xf32>
      %logistic3A_227 = arith.constant 1.000000e+00 : f32
      %logistic3A_228 = vector.broadcast %logistic3A_227 : f32 to vector<8x128xf32>
      %logistic3A_229 = arith.addf %logistic3A_228, %logistic3A_226 : vector<8x128xf32>
      %logistic3A_230 = arith.divf %logistic3A_228, %logistic3A_229 : vector<8x128xf32>
      %slice3A_231 = vector.extract_strided_slice %add3A_223 {offsets = [0, 128], sizes = [8, 128], strides = [1, 1]} : vector<8x384xf32> to vector<8x128xf32>
      %logistic3A_232 = arith.negf %slice3A_231 : vector<8x128xf32>
      %logistic3A_233 = math.exp %logistic3A_232 : vector<8x128xf32>
      %logistic3A_234 = arith.constant 1.000000e+00 : f32
      %logistic3A_235 = vector.broadcast %logistic3A_234 : f32 to vector<8x128xf32>
      %logistic3A_236 = arith.addf %logistic3A_235, %logistic3A_233 : vector<8x128xf32>
      %logistic3A_237 = arith.divf %logistic3A_235, %logistic3A_236 : vector<8x128xf32>
      %slice3A_238 = vector.extract_strided_slice %dot_general3A_220 {offsets = [0, 256], sizes = [8, 128], strides = [1, 1]} : vector<8x384xf32> to vector<8x128xf32>
      %add3A_239 = vector.broadcast %get3A_6 : vector<1x128xf32> to vector<8x128xf32>
      %add3A_240 = arith.addf %slice3A_238, %add3A_239 : vector<8x128xf32>
      %slice3A_241 = vector.extract_strided_slice %get3A_36 {offsets = [6, 256], sizes = [1, 128], strides = [1, 1]} : vector<8x384xf32> to vector<1x128xf32>
      %mul3A_242 = arith.mulf %add3A_240, %logistic3A_230 : vector<8x128xf32>
      %add3A_243 = vector.broadcast %slice3A_241 : vector<1x128xf32> to vector<8x128xf32>
      %add3A_244 = arith.addf %add3A_243, %mul3A_242 : vector<8x128xf32>
      %tanh3A_245 = math.tanh %add3A_244 : vector<8x128xf32>
      %sub3A_246 = arith.subf %add3A_217, %tanh3A_245 : vector<8x128xf32>
      %mul3A_247 = arith.mulf %logistic3A_237, %sub3A_246 : vector<8x128xf32>
      %add3A_248 = arith.addf %tanh3A_245, %mul3A_247 : vector<8x128xf32>
      %slice3A_249 = vector.extract_strided_slice %add3A_248 {offsets = [0, 0], sizes = [1, 128], strides = [1, 1]} : vector<8x128xf32> to vector<1x128xf32>
      %dot_general3A_250 = arith.constant dense<0.000000e+00> : vector<8x384xf32>
      %dot_general3A_251 = tpu.matmul %add3A_248, %get3A_3, %dot_general3A_250 {dimension_numbers = #tpu.dot_dimension_numbers<[1], [0], [0], [1], [0, 0, 1, 1], [], []>, transpose_lhs_hint = false} : vector<8x128xf32>, vector<128x384xf32>, vector<8x384xf32> -> vector<8x384xf32>
      %slice3A_252 = vector.extract_strided_slice %get3A_36 {offsets = [7, 0], sizes = [1, 384], strides = [1, 1]} : vector<8x384xf32> to vector<1x384xf32>
      %add3A_253 = vector.broadcast %slice3A_252 : vector<1x384xf32> to vector<8x384xf32>
      %add3A_254 = arith.addf %add3A_253, %dot_general3A_251 : vector<8x384xf32>
      %slice3A_255 = vector.extract_strided_slice %add3A_254 {offsets = [0, 0], sizes = [8, 128], strides = [1, 1]} : vector<8x384xf32> to vector<8x128xf32>
      %logistic3A_256 = arith.negf %slice3A_255 : vector<8x128xf32>
      %logistic3A_257 = math.exp %logistic3A_256 : vector<8x128xf32>
      %logistic3A_258 = arith.constant 1.000000e+00 : f32
      %logistic3A_259 = vector.broadcast %logistic3A_258 : f32 to vector<8x128xf32>
      %logistic3A_260 = arith.addf %logistic3A_259, %logistic3A_257 : vector<8x128xf32>
      %logistic3A_261 = arith.divf %logistic3A_259, %logistic3A_260 : vector<8x128xf32>
      %slice3A_262 = vector.extract_strided_slice %add3A_254 {offsets = [0, 128], sizes = [8, 128], strides = [1, 1]} : vector<8x384xf32> to vector<8x128xf32>
      %logistic3A_263 = arith.negf %slice3A_262 : vector<8x128xf32>
      %logistic3A_264 = math.exp %logistic3A_263 : vector<8x128xf32>
      %logistic3A_265 = arith.constant 1.000000e+00 : f32
      %logistic3A_266 = vector.broadcast %logistic3A_265 : f32 to vector<8x128xf32>
      %logistic3A_267 = arith.addf %logistic3A_266, %logistic3A_264 : vector<8x128xf32>
      %logistic3A_268 = arith.divf %logistic3A_266, %logistic3A_267 : vector<8x128xf32>
      %slice3A_269 = vector.extract_strided_slice %dot_general3A_251 {offsets = [0, 256], sizes = [8, 128], strides = [1, 1]} : vector<8x384xf32> to vector<8x128xf32>
      %add3A_270 = vector.broadcast %get3A_6 : vector<1x128xf32> to vector<8x128xf32>
      %add3A_271 = arith.addf %slice3A_269, %add3A_270 : vector<8x128xf32>
      %slice3A_272 = vector.extract_strided_slice %get3A_36 {offsets = [7, 256], sizes = [1, 128], strides = [1, 1]} : vector<8x384xf32> to vector<1x128xf32>
      %mul3A_273 = arith.mulf %add3A_271, %logistic3A_261 : vector<8x128xf32>
      %add3A_274 = vector.broadcast %slice3A_272 : vector<1x128xf32> to vector<8x128xf32>
      %add3A_275 = arith.addf %add3A_274, %mul3A_273 : vector<8x128xf32>
      %tanh3A_276 = math.tanh %add3A_275 : vector<8x128xf32>
      %sub3A_277 = arith.subf %add3A_248, %tanh3A_276 : vector<8x128xf32>
      %mul3A_278 = arith.mulf %logistic3A_268, %sub3A_277 : vector<8x128xf32>
      %add3A_279 = arith.addf %tanh3A_276, %mul3A_278 : vector<8x128xf32>
      %slice3A_280 = vector.extract_strided_slice %add3A_279 {offsets = [0, 0], sizes = [1, 128], strides = [1, 1]} : vector<8x128xf32> to vector<1x128xf32>
      %concatenate3A = tpu.concatenate %slice3A_63, %slice3A_94, %slice3A_125, %slice3A_156, %slice3A_187, %slice3A_218, %slice3A_249, %slice3A_280 in 0 : vector<1x128xf32>, vector<1x128xf32>, vector<1x128xf32>, vector<1x128xf32>, vector<1x128xf32>, vector<1x128xf32>, vector<1x128xf32>, vector<1x128xf32> -> vector<8x128xf32>
      %swap3A_281 = arith.index_cast %multiple_of3A : i32 to index
      %swap3A_282 = arith.constant 0 : index
      %swap3A_283 = vector.load %arg8[%swap3A_281, %swap3A_282] : memref<1000x128xf32, #tpu.memory_space<vmem>>, vector<8x128xf32>
      tpu.vector_store %arg8[%swap3A_281, %swap3A_282], %concatenate3A {strides = array<i32>} : memref<1000x128xf32, #tpu.memory_space<vmem>>, vector<8x128xf32>,
      scf.yield %add3A_279 : vector<8x128xf32>
    }
    %scan3A_14 = arith.constant 125 : i32
    %swap3A = arith.constant 0 : index
    %swap3A_15 = arith.constant 0 : index
    %swap3A_16 = vector.load %arg7[%swap3A, %swap3A_15] : memref<8x128xf32, #tpu.memory_space<vmem>>, vector<8x128xf32>
    tpu.vector_store %arg7[%swap3A, %swap3A_15], %scan3A_13 {strides = array<i32>} : memref<8x128xf32, #tpu.memory_space<vmem>>, vector<8x128xf32>,
    %get3A_17 = arith.constant 0 : index
    %get3A_18 = arith.constant 0 : index
    %get3A_19 = vector.load %arg8[%get3A_17, %get3A_18] : memref<1000x128xf32, #tpu.memory_space<vmem>>, vector<1000x128xf32>
    %get3A_20 = arith.constant 0 : index
    %get3A_21 = arith.constant 0 : index
    %get3A_22 = vector.load %arg4[%get3A_20, %get3A_21] : memref<128x1xf32, #tpu.memory_space<vmem>>, vector<128x1xf32>
    %dot_general3A = arith.constant dense<0.000000e+00> : vector<1000x1xf32>
    %dot_general3A_23 = tpu.matmul %get3A_19, %get3A_22, %dot_general3A {dimension_numbers = #tpu.dot_dimension_numbers<[1], [0], [0], [1], [0, 0, 1, 1], [], []>, transpose_lhs_hint = false} : vector<1000x128xf32>, vector<128x1xf32>, vector<1000x1xf32> -> vector<1000x1xf32>
    %get3A_24 = arith.constant 0 : index
    %get3A_25 = arith.constant 0 : index
    %get3A_26 = vector.load %arg5[%get3A_24, %get3A_25] : memref<1x1xf32, #tpu.memory_space<vmem>>, vector<1x1xf32>
    %add3A = vector.broadcast %get3A_26 : vector<1x1xf32> to vector<1000x1xf32>
    %add3A_27 = arith.addf %dot_general3A_23, %add3A : vector<1000x1xf32>
    %swap3A_28 = arith.constant 0 : index
    %swap3A_29 = arith.constant 0 : index
    %swap3A_30 = vector.load %arg6[%swap3A_28, %swap3A_29] : memref<1000x1xf32, #tpu.memory_space<vmem>>, vector<1000x1xf32>
    tpu.vector_store %arg6[%swap3A_28, %swap3A_29], %add3A_27 {strides = array<i32>} : memref<1000x1xf32, #tpu.memory_space<vmem>>, vector<1000x1xf32>,
    return
  }
  func.func @transform_0(%arg0: i32) -> (i32, i32) {
    %c0_i32 = arith.constant 0 : i32
    %c0_i32_0 = arith.constant 0 : i32
    return %arg0, %c0_i32 : i32, i32
  }
  func.func @transform_1(%arg0: i32) -> (i32, i32) {
    %c0_i32 = arith.constant 0 : i32
    %c0_i32_0 = arith.constant 0 : i32
    %c0_i32_1 = arith.constant 0 : i32
    return %c0_i32, %c0_i32_0 : i32, i32
  }
  func.func @transform_2(%arg0: i32) -> (i32, i32) {
    %c0_i32 = arith.constant 0 : i32
    %c0_i32_0 = arith.constant 0 : i32
    %c0_i32_1 = arith.constant 0 : i32
    return %c0_i32, %c0_i32_0 : i32, i32
  }
  func.func @transform_3(%arg0: i32) -> (i32, i32) {
    %c0_i32 = arith.constant 0 : i32
    %c0_i32_0 = arith.constant 0 : i32
    %c0_i32_1 = arith.constant 0 : i32
    return %c0_i32, %c0_i32_0 : i32, i32
  }
  func.func @transform_4(%arg0: i32) -> (i32, i32) {
    %c0_i32 = arith.constant 0 : i32
    %c0_i32_0 = arith.constant 0 : i32
    %c0_i32_1 = arith.constant 0 : i32
    return %c0_i32, %c0_i32_0 : i32, i32
  }
  func.func @transform_5(%arg0: i32) -> (i32, i32) {
    %c0_i32 = arith.constant 0 : i32
    %c0_i32_0 = arith.constant 0 : i32
    return %arg0, %c0_i32 : i32, i32
  }
}

</mosaic_0001>

<sc_bundles>
// kernel: kernel.10.cloned.1.call-start
scs
__scs_entry_jumppad:
0x0: {  	(pc) =	sbr.rel $0x88, $3  }
0x1: {  	(tag) =	ssettag $0x0;
	lr =	simm.s32 $0x1  }
0x2: {  	[smem:$0x3F95] =	sst lr;
	_ =	strace $0xD0000000  }
0x3: {  	_ = 	snop  }
0x4: {  	_ = 	snop  }
0x5: {  	_ = 	snop  }
0x6: {  	_ = 	snop  }
0x7: {  	_ = 	snop  }
__scs_overlays_trampoline_lowered:
0x8: {  	[smem:$0x3FA4] =	sst s0  }
0x9: {  	[smem:$0x3FA5] =	sst s1  }
0xa: {  	[smem:$0x3FA6] =	sst s2  }
0xb: {  	[smem:$0x3FA7] =	sst s3  }
0xc: {  	[smem:$0x3FA8] =	sst s4  }
0xd: {  	[smem:$0x3FA9] =	sst s5  }
0xe: {  	[smem:$0x3FAA] =	sst s6  }
0xf: {  	[smem:$0x3FAB] =	sst s7  }
0x10: {  	[smem:$0x3FAC] =	sst s8  }
0x11: {  	[smem:$0x3FAD] =	sst s9;
	s0 =	simm.s32 @!p0 $0x0  }
0x12: {  	s1 =	sld [smem:$0x3F93];
	s0 =	simm.s32 @p0 $0x1  }
0x13: {  	[smem:$0x3FAE] =	sst s0;
	s0 =	simm.s32 @!p1 $0x0  }
0x14: {  	s2 =	sld [smem:$0x3F92];
	s0 =	simm.s32 @p1 $0x1  }
0x15: {  	[smem:$0x3FAF] =	sst s0;
	s0 =	simm.s32 @!p2 $0x0  }
0x16: {  	s3 =	sld [smem:$0x3FDB];
	s0 =	simm.s32 @p2 $0x1  }
0x17: {  	s4 =	simm.s32 $0x1BF5;
	[smem:$0x3FB1] =	sst s0  }
0x18: {  	s0 =	sld [smem:$0x3F94];
	_ =	swait.ge [sflag:s4], $0x0  }
0x19: {  	s7 =	sld [smem:$0x3F95]  }
0x1a: {  	s8 =	sadd.s32 $0xFFFFE003, lr  }
0x1b: {  	s9 =	sadd.s32 $0xFFFFFEF7, lr;
	s5 =	simm.s32 $0xFFFFFFFF;
	p2 =	slt.u32 s8, $0xFFFFF086  }
0x1c: {  	p1 =	slt.u32 s9, $0xF7A;
	s5 =	simm.s32 @!p2 $0x0  }
0x1d: {  	s5 =	simm.s32 @p1 $0x1;
	p0 =	seq.s32 s7, s2  }
0x1e: {  	s7 =	smul.u32 @!p0 $0xF7A, s2;
	p2 =	seq.s32 @!p0 s5, $0x0  }
0x1f: {  	s9 =	smul.u32 $0xF7A, s1;
	s8 =	simm.s32 @!p0 $0x1BF5;
	p2 =	por !p2, p0  }
0x20: {  	[sflag:s8] =	ssyncset.s32 @!p0 $0xFFFFF086;
	s6 =	sadd.s32 @!p0 s3, s7;
	s7 =	simm.s32 @!p0 $0x108  }
0x21: {  	s3 =	sadd.s32 s3, s9;
	s6 =	sadd.s32 @!p0 $0x88, s6;
	s7 =	simm.s32 @p2 $0x1082  }
0x22: {  	[simem:s7], [sflag:s8] =	dma.local @!p0 [hbm:s6], $0xF7A  }
0x23: {  	s9 =	sor.u32 $0xD0000000, s2;
	s6 =	simm.s32 $0x108;
	_ =	swait.ge @!p0 [sflag:s8], $0x0  }
0x24: {  	s3 =	sadd.s32 $0x88, s3;
	s6 =	simm.s32 @!p1 $0x1082;
	[sflag:s4] =	ssyncset.s32 $0xFFFFF086  }
0x25: {  	[simem:s6], [sflag:s4] =	dma.local [hbm:s3], $0xF7A  }
0x26: {  	[smem:$0x3F95] =	sst s1;
	(tag) =	ssettag s2;
	_ =	strace s9  }
0x27: {  	s1 =	sld [smem:$0x3FA5]  }
0x28: {  	s2 =	sld [smem:$0x3FA6]  }
0x29: {  	s4 =	sld [smem:$0x3FA8]  }
0x2a: {  	p0 =	seq.s32 s5, $0x0;
	s5 =	sld [smem:$0x3FA9]  }
0x2b: {  	s6 =	sld [smem:$0x3FAA]  }
0x2c: {  	s7 =	sld [smem:$0x3FAB]  }
0x2d: {  	s3 =	simm.s32 $0x108;
	s8 =	sld [smem:$0x3FAC]  }
0x2e: {  	s3 =	simm.s32 @!p0 $0x1082;
	s9 =	sld [smem:$0x3FAD]  }
0x2f: {  	lr =	sadd.s32 s0, s3;
	s0 =	sld [smem:$0x3FA4]  }
0x30: {  	s3 =	sld [smem:$0x3FA7]  }
0x31: {  	[smem:$0x3FB0] =	sst s10  }
0x32: {  	s10 =	sld [smem:$0x3FAE];
	_ =	sdelay $0x3  }
0x33: {  	p0 =	seq.s32 s10, $0x1;
	s10 =	sld [smem:$0x3FB0];
	_ =	sdelay $0x3  }
0x34: {  	[smem:$0x3FB0] =	sst s10  }
0x35: {  	s10 =	sld [smem:$0x3FAF];
	_ =	sdelay $0x3  }
0x36: {  	p1 =	seq.s32 s10, $0x1;
	s10 =	sld [smem:$0x3FB0];
	_ =	sdelay $0x3  }
0x37: {  	[smem:$0x3FB0] =	sst s10  }
0x38: {  	s10 =	sld [smem:$0x3FB1]  }
0x39: {  	_ = 	snop;
	(pc) =	sbr.ind lr, $3  }
0x3a: {  	_ = 	snop  }
0x3b: {  	_ = 	snop  }
0x3c: {  	p2 =	seq.s32 s10, $0x1;
	s10 =	sld [smem:$0x3FB0]  }
0x3d: {  	_ =	shalt  }
0x3e: {  	_ =	shalt  }
0x3f: {  	_ =	shalt  }
0x40: {  	_ =	shalt  }
0x41: {  	_ =	shalt  }
0x42: {  	_ =	shalt  }
0x43: {  	_ =	shalt  }
0x44: {  	_ =	shalt  }
0x45: {  	_ =	shalt  }
0x46: {  	_ =	shalt  }
0x47: {  	_ =	shalt  }
0x48: {  	_ =	shalt  }
0x49: {  	_ =	shalt  }
0x4a: {  	_ =	shalt  }
0x4b: {  	_ =	shalt  }
0x4c: {  	_ =	shalt  }
0x4d: {  	_ =	shalt  }
0x4e: {  	_ =	shalt  }
0x4f: {  	_ =	shalt  }
0x50: {  	_ =	shalt  }
0x51: {  	_ =	shalt  }
0x52: {  	_ =	shalt  }
0x53: {  	_ =	shalt  }
0x54: {  	_ =	shalt  }
0x55: {  	_ =	shalt  }
0x56: {  	_ =	shalt  }
0x57: {  	_ =	shalt  }
0x58: {  	_ =	shalt  }
0x59: {  	_ =	shalt  }
0x5a: {  	_ =	shalt  }
0x5b: {  	_ =	shalt  }
0x5c: {  	_ =	shalt  }
0x5d: {  	_ =	shalt  }
0x5e: {  	_ =	shalt  }
0x5f: {  	_ =	shalt  }
0x60: {  	_ =	shalt  }
0x61: {  	_ =	shalt  }
0x62: {  	_ =	shalt  }
0x63: {  	_ =	shalt  }
0x64: {  	_ =	shalt  }
0x65: {  	_ =	shalt  }
0x66: {  	_ =	shalt  }
0x67: {  	_ =	shalt  }
0x68: {  	_ =	shalt  }
0x69: {  	_ =	shalt  }
0x6a: {  	_ =	shalt  }
0x6b: {  	_ =	shalt  }
0x6c: {  	_ =	shalt  }
0x6d: {  	_ =	shalt  }
0x6e: {  	_ =	shalt  }
0x6f: {  	_ =	shalt  }
0x70: {  	_ =	shalt  }
0x71: {  	_ =	shalt  }
0x72: {  	_ =	shalt  }
0x73: {  	_ =	shalt  }
0x74: {  	_ =	shalt  }
0x75: {  	_ =	shalt  }
0x76: {  	_ =	shalt  }
0x77: {  	_ =	shalt  }
0x78: {  	_ =	shalt  }
0x79: {  	_ =	shalt  }
0x7a: {  	_ =	shalt  }
0x7b: {  	_ =	shalt  }
0x7c: {  	_ =	shalt  }
0x7d: {  	_ =	shalt  }
0x7e: {  	_ =	shalt  }
0x7f: {  	_ =	shalt  }
0x80: {  	_ =	shalt  }
0x81: {  	_ =	shalt  }
0x82: {  	_ =	shalt  }
0x83: {  	_ =	shalt  }
0x84: {  	_ =	shalt  }
0x85: {  	_ =	shalt  }
0x86: {  	_ =	shalt  }
0x87: {  	_ =	shalt  }
.Lfunc_end0:
.L_simem_size_0:
called_computation.1_lowered:
.L_overlay_start_0:
0x88: {  	s2 =	sld [smem:$0x3FD9]  }
0x89: {  	s3 =	sld [smem:$0x3FFE];
	_ =	sdelay $0x1  }
0x8a: {  	s1 =	srdreg.scid  }
0x8b: {  	s0 =	sand.u32 $0x1, s1  }
0x8c: {  	s16 =	sshll.u32 s0, $0xA;
	s2 =	sadd.s32 s3, s2  }
0x8d: {  	s2 =	sadd.s32 s2, s16  }
0x8e: {  	[smem:$0x3FBC] =	sst s2  }
0x8f: {  	_ = 	snop  }
0x90: {  	(tm) =	ssettm $0x1  }
0x91: {  	s17 =	sld [smem:$0x3FFB];
	_ =	sdelay $0x3  }
0x92: {  	_ =	strace s17  }
0x93: {  	s2 =	sld [smem:$0x3FFC];
	_ =	sdelay $0x3  }
0x94: {  	_ =	strace s2  }
0x95: {  	s2 =	sld [smem:$0x3FFD];
	_ =	sdelay $0x3  }
0x96: {  	_ =	strace s2  }
0x97: {  	_ =	strace $0x8FFFFFFF  }
0x98: {  	s18 =	sld [smem:$0x3FDB];
	_ =	sdelay $0x1  }
0x99: {  	s19 =	simm.s32 $_scs_section_size  }
0x9a: {  	s4 =	simm.s32 $_size__tile_overlayer_lowered;
	s5 =	simm.s32 $_tile_overlayer_lowered  }
0x9b: {  	s22 =	simm.s32 $0x1BFF;
	s21 =	sshll.u32 s5, $0x1;
	s2 =	sadd.s32 s19, s18  }
0x9c: {  	s6 =	simm.s32 $0x0;
	s20 =	sshll.u32 s4, $0x1;
	s4 =	sadd.s32 s21, s2  }
0x9d: {  	[timem:s6], [sflag:s22] =	dma.local [hbm:s4], s20  }
0x9e: {  	_ =	swait.ge [sflag:s22], s20  }
0x9f: {  	s3 =	ssub.s32 $0x0, s20;
	[sflag:s22] =	ssyncset.done $0x0  }
0xa0: {  	[sflag:s22] =	ssyncadd.s32 s3;
	_ =	sdelay $0x1  }
0xa1: {  	s23 =	simm.s32 $0x1B8B  }
0xa2: {  	_ =	swait.ge [sflag:s23], $0x1  }
0xa3: {  	[sflag:s23] =	ssyncset.done $0x0  }
0xa4: {  	s25 =	simm.s32 $0x1B8E;
	s24 =	sld [smem:$0x3FFE];
	[sflag:s23] =	ssyncadd.s32 $0xFFFFFFFF  }
0xa5: {  	s26 =	simm.s32 $execute0_lowered;
	[smem:$0x3FD2] =	sst s25  }
0xa6: {  	s4 =	sshll.u32 s26, $0x1;
	_ =	strace $0x80000049;
	[dreg:$0x1] =	wrdreg $0xFFFFFFFF  }
0xa7: {  	s28 =	simm.s32 $_size_execute0_lowered;
	s2 =	sadd.s32 s2, s4;
	[dreg:$0x0] =	wrdreg $0x0  }
0xa8: {  	s4 =	sshll.u32 s28, $0x1;
	[dreg:$0x2] =	wrdreg s2  }
0xa9: {  	[dreg:$0x3] =	wrdreg s4  }
0xaa: {  	[dreg:$0x4] =	wrdreg $0xC0  }
0xab: {  	_ =	task [dreg:s6], $0x5FFFF  }
0xac: {  	[dreg:$0x1] =	wrdreg $0xFFFFFFFF  }
0xad: {  	[dreg:$0x0] =	wrdreg $0x60  }
0xae: {  	[dreg:$0x2] =	wrdreg s24  }
0xaf: {  	[dreg:$0x3] =	wrdreg $0x84000  }
0xb0: {  	[dreg:$0x4] =	wrdreg $0x9  }
0xb1: {  	_ =	task.clear_ibuf [dreg:s6], $0x5FFFF;
	_ =	strace $0x90000049  }
0xb2: {  	s29 =	simm.s32 $0x9;
	_ =	strace $0x8000004B  }
0xb3: {  	_ =	swait.ge [sflag:s29], $0x1  }
0xb4: {  	[sflag:s29] =	ssyncadd.s32 $0xFFFFFFFF  }
0xb5: {  	_ =	strace $0x9000004B  }
0xb6: {  	_ =	sfence  }
0xb7: {  	s30 =	sld [smem:$0x0];
	_ =	sdelay $0x2  }
0xb8: {  	s31 =	sshll.u32 s1, $0xD;
	s1 =	sshrl.u32 s1, $0x2  }
0xb9: {  	s3 =	sand.u32 $0x4000, s31;
	s1 =	sadd.s32 s1, s30  }
0xba: {  	s0 =	sor.u32 s3, s0;
	s1 =	sshll.u32 s1, $0x11  }
0xbb: {  	s0 =	sor.u32 s1, s0  }
0xbc: {  	s0 =	sadd.s32 $0x8F2B, s0  }
0xbd: {  	[sflag:s0] =	ssyncadd.remote.s32 $0x1  }
0xbe: {  	_ =	sfence.sel $0xFFFF  }
0xbf: {  	[dreg:$0x0] =	wrdreg $0xFFFFFFFF;
	(pc) =	sbr.abs _section_cstart, $3  }
0xc0: {  	[dreg:$0x1] =	wrdreg $0xFFFFFFFF  }
0xc1: {  	_ =	task.clear_ibuf [dreg:s6], $0x2FFFF;
	_ =	strace $0x9FFFFFFF  }
0xc2: {  	(tm) =	ssettm $0x7FFFFFFF  }
0xc3: {  	_ =	shalt  }
tec
execute0_lowered:
.L_overlay_start_1:
0x0: {  	(tag) =	ssettag $0x1  }
0x1: {  	s0 =	rddreg [dreg:$0x0]  }
0x2: {  	s26 =	rddreg [dreg:$0x1];
	s2 =	srdreg.scid  }
0x3: {  	s3 =	simm.s32 $0x0;
	s11 =	stileid.u32;
	s19 =	simm.s32 $0x11  }
0x4: {  	s20 =	simm.s32 $0x280;
	s28 =	simm.s32 $0x3;
	s13 =	simm.s32 $0xC  }
0x5: {  	s14 =	simm.s32 $0xD;
	s15 =	simm.s32 $0xE;
	s16 =	simm.s32 $0xF  }
0x6: {  	s30 =	simm.s32 $0x0;
	s2 =	sand.u32 $0x1, s2;
	s8 =	smul.u32 $0x14000, s11  }
0x7: {  	[smem:$0x7FF] =	sst s3;
	s4 =	sadd.s32 $0x5EA00, s0;
	s10 =	smul.u32 $0x50000, s11  }
0x8: {  	s5 =	sadd.s32 $0x1A00, s0;
	s6 =	sadd.s32 $0xE200, s0;
	s25 =	smul.u32 $0x44, s11  }
0x9: {  	s12 =	sadd.s32 $0xBA00, s0;
	s24 =	sshll.u32 s11, $0x6;
	s7 =	smul.u32 $0x140000, s2  }
0xa: {  	_ =	strace $0x8000004A;
	s21 =	ssub.s32 $0x2, s2;
	[dreg:$0x3] =	wrdreg s12  }
0xb: {  	s1 =	sor.u32 $0x1C11, s24;
	p0 =	seq.s32 s2, $0x0;
	s12 =	simm.s32 $0x8  }
0xc: {  	s9 =	sshrl.u32 s21, $0x1;
	s23 =	sshrl.u32 s10, $0x2;
	s2 =	sadd.s32 $0xFC0, s25  }
0xd: {  	s10 =	simm.s32 $0x3F;
	[dreg:$0x4] =	wrdreg s1;
	s7 =	sadd.s32 s8, s7  }
0xe: {  	s22 =	ssub.s32 s21, s9;
	s8 =	sadd.s32 s23, s26;
	s9 =	smul.u32 $0xFC, s11  }
0xf: {  	s10 =	simm.s32 @!p0 $0x11;
	s21 =	simm.s32 $0x300;
	s23 =	simm.s32 $0x40  }
0x10: {  	s11 =	simm.s32 $0xB;
	s7 =	sshrl.u32 s7, $0x3;
	[dreg:$0x5] =	wrdreg s10  }
0x11: {  	s29 =	smax.u32 s22, $0x1;
	s18 =	sshrl.u32 s8, $0x3;
	s22 =	simm.s32 $0x1  }
0x12: {  	s10 =	simm.s32 $0x2400;
	s0 =	sadd.s32 s7, s0;
	[dreg:$0x7] =	wrdreg s29  }
0x13: {  	s2 =	smov.u32 @p0 s9;
	[dreg:$0x9] =	wrdreg s18;
	s0 =	sadd.s32 $0x68A00, s0  }
0x14: {  	s8 =	simm.s32 $0x4;
	s31 =	sshll.u32 s2, $0x3;
	[dreg:$0x6] =	wrdreg s0  }
0x15: {  	s9 =	simm.s32 $0x6;
	s2 =	simm.s32 $0x7;
	[dreg:$0x8] =	wrdreg s31  }
.LBB2_1:
0x16: {  	s17 =	rddreg [dreg:$0x3]  }
0x17: {  	[spmem:s18], [sflag:s1] =	dma.local [hbm:s17], $0x2800  }
0x18: {  	_ =	swait.ge [sflag:s19], $0x2800  }
0x19: {  	s31 =	rddreg [dreg:$0x5]  }
0x1a: {  	p1 =	sne.s32 s31, $0x1  }
.Ltmp0:
0x1b: {  	_ = 	snop;
	(pc) =	sbr.rel @!p1 .LBB2_6-.Ltmp0, $4  }
0x1c: {  	[sflag:s19] =	ssyncset.done $0x0  }
0x1d: {  	[sflag:s19] =	ssyncadd.s32 $0xFFFFD800  }
0x1e: {  	[bflag:$0x0] =	sbarrier.arrive $0xFFFF  }
0x1f: {  	p0 =	por $0x0, $0x0;
	s25 =	sadd.s32 $0xFFFFFFFF, s31;
	s17 =	rddreg [dreg:$0x8]  }
0x20: {  	s19 =	rddreg [dreg:$0x8]  }
0x21: {  	s17 =	sadd.s32 s19, s4;
	s0 =	sor.u32 $0x8, s19  }
0x22: {  	[tilespmem:s3], [sflag:$0x1] =	stream.linear.gather [hbm4b:s17+s3], $0x40, $0x38;
	[tilespmem:$0x1C400] =	vst v63  }
0x23: {  	s24 =	simm.s32 $0x80;
	s1 =	sor.u32 $0x10, s19;
	s2 =	sadd.s32 s4, s0  }
0x24: {  	[tilespmem:s24], [sflag:$0x3] =	stream.linear.gather [hbm4b:s2+s3], $0x40, $0x38;
	[tilespmem:$0x1C400] =	vst v63  }
0x25: {  	s7 =	simm.s32 $0x100;
	s12 =	sor.u32 $0x18, s19;
	s11 =	sadd.s32 s4, s1  }
0x26: {  	[tilespmem:s7], [sflag:$0x5] =	stream.linear.gather [hbm4b:s11+s3], $0x40, $0x38;
	[tilespmem:$0x1C400] =	vst v63  }
0x27: {  	s9 =	simm.s32 $0x180;
	s18 =	sadd.s32 s4, s12  }
0x28: {  	[tilespmem:s9], [sflag:$0x7] =	stream.linear.gather [hbm4b:s18+s3], $0x40, $0x38;
	[tilespmem:$0x1C400] =	vst v63  }
0x29: {  	s8 =	simm.s32 $0x200;
	s13 =	sadd.s32 s19, s5  }
0x2a: {  	[tilespmem:s8], [sflag:$0x2] =	stream.linear.gather [hbm4b:s13+s3], $0x40, $0x38;
	[tilespmem:$0x1C400] =	vst v63  }
0x2b: {  	s14 =	sadd.s32 s5, s0  }
0x2c: {  	[tilespmem:s20], [sflag:$0x4] =	stream.linear.gather [hbm4b:s14+s3], $0x40, $0x38;
	[tilespmem:$0x1C400] =	vst v63  }
0x2d: {  	[dreg:$0xa] =	wrdreg s30;
	s15 =	sadd.s32 s5, s1  }
0x2e: {  	[tilespmem:s21], [sflag:$0x6] =	stream.linear.gather [hbm4b:s15+s3], $0x40, $0x38;
	[tilespmem:$0x1C400] =	vst v63  }
0x2f: {  	s16 =	simm.s32 $0x1;
	s17 =	sadd.s32 s5, s12;
	s1 =	simm.s32 $0x380  }
0x30: {  	[tilespmem:s1], [sflag:$0x8] =	stream.linear.gather [hbm4b:s17+s3], $0x40, $0x38;
	[tilespmem:$0x1C400] =	vst v63  }
0x31: {  	_ =	swait.ge [sflag:s16], $0x40  }
0x32: {  	[sflag:s16] =	ssyncset.done $0x0  }
0x33: {  	s30 =	simm.s32 $0x3;
	s11 =	simm.s32 $0x400;
	[sflag:s16] =	ssyncadd.s32 $0xFFFFFFC0  }
0x34: {  	[tilespmem:s11], [sflag:$0x9] =	stream.indirect.gather [hbm4b:s6+s23], $0x80, s3, s23, $0xb8;
	[tilespmem:$0x1C400] =	vst v63  }
0x35: {  	_ =	swait.ge [sflag:s30], $0x40  }
0x36: {  	[sflag:s30] =	ssyncset.done $0x0  }
0x37: {  	s0 =	simm.s32 $0x5;
	s2 =	simm.s32 $0x2400;
	[sflag:s30] =	ssyncadd.s32 $0xFFFFFFC0  }
0x38: {  	[tilespmem:s2], [sflag:$0xA] =	stream.indirect.gather [hbm4b:s6+s23], $0x80, s24, s23, $0xb8;
	[tilespmem:$0x1C400] =	vst v63  }
0x39: {  	_ =	swait.ge [sflag:s0], $0x40  }
0x3a: {  	[sflag:s0] =	ssyncset.done $0x0  }
0x3b: {  	s31 =	simm.s32 $0x7;
	s18 =	simm.s32 $0x4400;
	[sflag:s0] =	ssyncadd.s32 $0xFFFFFFC0  }
0x3c: {  	[tilespmem:s18], [sflag:$0xB] =	stream.indirect.gather [hbm4b:s6+s23], $0x80, s7, s23, $0xb8;
	[tilespmem:$0x1C400] =	vst v63  }
0x3d: {  	_ =	swait.ge [sflag:s31], $0x40  }
0x3e: {  	[sflag:s31] =	ssyncset.done $0x0  }
0x3f: {  	s28 =	simm.s32 $0x6400;
	s29 =	simm.s32 $0x9;
	[sflag:s31] =	ssyncadd.s32 $0xFFFFFFC0  }
0x40: {  	[tilespmem:s28], [sflag:$0xC] =	stream.indirect.gather [hbm4b:s6+s23], $0x80, s9, s23, $0xb8;
	[tilespmem:$0x1C400] =	vst v63  }
0x41: {  	_ =	swait.ge [sflag:s29], $0x2000  }
0x42: {  	[sflag:s29] =	ssyncset.done $0x0  }
0x43: {  	s10 =	simm.s32 $0x2;
	[sflag:s29] =	ssyncadd.s32 $0xFFFFE000  }
0x44: {  	_ =	swait.ge [sflag:s10], $0x40  }
0x45: {  	[sflag:s10] =	ssyncset.done $0x0  }
0x46: {  	[sflag:s10] =	ssyncadd.s32 $0xFFFFFFC0  }
0x47: {  	[spmem:s26] =	stream.indirect.scatter.add.f32 [tilespmem:s11], [sflag:$0xD], $0x80, s8, s23, $0xb8;
	[tilespmem:$0x1C400] =	vst v63  }
0x48: {  	s11 =	simm.s32 $0xA  }
0x49: {  	_ =	swait.ge [sflag:s11], $0x2000  }
0x4a: {  	[sflag:s11] =	ssyncset.done $0x0  }
0x4b: {  	s8 =	simm.s32 $0x4;
	[sflag:s11] =	ssyncadd.s32 $0xFFFFE000  }
0x4c: {  	_ =	swait.ge [sflag:s8], $0x40  }
0x4d: {  	[sflag:s8] =	ssyncset.done $0x0  }
0x4e: {  	s13 =	simm.s32 $0xB;
	[sflag:s8] =	ssyncadd.s32 $0xFFFFFFC0  }
0x4f: {  	[spmem:s26] =	stream.indirect.scatter.add.f32 [tilespmem:s2], [sflag:$0xE], $0x80, s20, s23, $0xb8;
	[tilespmem:$0x1C400] =	vst v63  }
0x50: {  	_ =	swait.ge [sflag:s13], $0x2000  }
0x51: {  	[sflag:s13] =	ssyncset.done $0x0  }
0x52: {  	s9 =	simm.s32 $0x6;
	[sflag:s13] =	ssyncadd.s32 $0xFFFFE000  }
0x53: {  	_ =	swait.ge [sflag:s9], $0x40  }
0x54: {  	[sflag:s9] =	ssyncset.done $0x0  }
0x55: {  	s14 =	simm.s32 $0xC;
	[sflag:s9] =	ssyncadd.s32 $0xFFFFFFC0  }
0x56: {  	[spmem:s26] =	stream.indirect.scatter.add.f32 [tilespmem:s18], [sflag:$0xF], $0x80, s21, s23, $0xb8;
	[tilespmem:$0x1C400] =	vst v63  }
0x57: {  	_ =	swait.ge [sflag:s14], $0x2000  }
0x58: {  	[sflag:s14] =	ssyncset.done $0x0  }
0x59: {  	s12 =	simm.s32 $0x8;
	[sflag:s14] =	ssyncadd.s32 $0xFFFFE000  }
0x5a: {  	_ =	swait.ge [sflag:s12], $0x40  }
0x5b: {  	[sflag:s12] =	ssyncset.done $0x0  }
0x5c: {  	s15 =	simm.s32 $0xD;
	[sflag:s12] =	ssyncadd.s32 $0xFFFFFFC0  }
0x5d: {  	[spmem:s26] =	stream.indirect.scatter.add.f32 [tilespmem:s28], [sflag:$0x10], $0x80, s1, s23, $0xb8;
	[tilespmem:$0x1C400] =	vst v63  }
0x5e: {  	_ =	swait.ge [sflag:s15], $0x2000  }
0x5f: {  	[sflag:s15] =	ssyncset.done $0x0  }
0x60: {  	s16 =	simm.s32 $0xE;
	[sflag:s15] =	ssyncadd.s32 $0xFFFFE000  }
0x61: {  	_ =	swait.ge [sflag:s16], $0x2000  }
0x62: {  	[sflag:s16] =	ssyncset.done $0x0  }
0x63: {  	s22 =	simm.s32 $0xF;
	p1 =	sne.s32 s25, $0x1;
	[sflag:s16] =	ssyncadd.s32 $0xFFFFE000  }
.Ltmp1:
0x64: {  	_ =	swait.ge [sflag:s22], $0x2000;
	(pc) =	sbr.rel @!p1 .LBB2_3-.Ltmp1, $4  }
0x65: {  	[sflag:s22] =	ssyncset.done $0x0  }
0x66: {  	s21 =	simm.s32 $0x10;
	[sflag:s22] =	ssyncadd.s32 $0xFFFFE000  }
0x67: {  	p0 =	por $0x1, $0x1;
	_ =	swait.ge [sflag:s21], $0x2000  }
0x68: {  	s17 =	sadd.s32 $0x20, s19;
	s18 =	sadd.s32 $0xFFFFFFFF, s25;
	[sflag:s21] =	ssyncset.done $0x0  }
.LBB2_4:
0x69: {  	s19 =	sadd.s32 s17, s4;
	s20 =	sor.u32 $0x8, s17;
	[sflag:s21] =	ssyncadd.s32 $0xFFFFE000  }
0x6a: {  	[tilespmem:s3], [sflag:$0x1] =	stream.linear.gather [hbm4b:s19+s3], $0x40, $0x38;
	[tilespmem:$0x1C400] =	vst v63  }
0x6b: {  	s21 =	sor.u32 $0x10, s17;
	s1 =	sadd.s32 s4, s20  }
0x6c: {  	[tilespmem:s24], [sflag:$0x3] =	stream.linear.gather [hbm4b:s1+s3], $0x40, $0x38;
	[tilespmem:$0x1C400] =	vst v63  }
0x6d: {  	s28 =	simm.s32 $0x100;
	s2 =	sadd.s32 s4, s21;
	s24 =	sor.u32 $0x18, s17  }
0x6e: {  	[tilespmem:s28], [sflag:$0x5] =	stream.linear.gather [hbm4b:s2+s3], $0x40, $0x38;
	[tilespmem:$0x1C400] =	vst v63  }
0x6f: {  	s7 =	sadd.s32 s4, s24;
	s2 =	simm.s32 $0x180  }
0x70: {  	[tilespmem:s2], [sflag:$0x7] =	stream.linear.gather [hbm4b:s7+s3], $0x40, $0x38;
	[tilespmem:$0x1C400] =	vst v63  }
0x71: {  	s25 =	sadd.s32 s17, s5;
	s26 =	simm.s32 $0x200  }
0x72: {  	[tilespmem:s26], [sflag:$0x2] =	stream.linear.gather [hbm4b:s25+s3], $0x40, $0x38;
	[tilespmem:$0x1C400] =	vst v63  }
0x73: {  	s1 =	sadd.s32 s5, s20;
	s20 =	simm.s32 $0x280  }
0x74: {  	[tilespmem:s20], [sflag:$0x4] =	stream.linear.gather [hbm4b:s1+s3], $0x40, $0x38;
	[tilespmem:$0x1C400] =	vst v63  }
0x75: {  	s7 =	sadd.s32 s5, s21;
	s21 =	simm.s32 $0x300  }
0x76: {  	[tilespmem:s21], [sflag:$0x6] =	stream.linear.gather [hbm4b:s7+s3], $0x40, $0x38;
	[tilespmem:$0x1C400] =	vst v63  }
0x77: {  	s25 =	sadd.s32 s5, s24;
	s1 =	simm.s32 $0x380;
	s7 =	simm.s32 $0x1  }
0x78: {  	[tilespmem:s1], [sflag:$0x8] =	stream.linear.gather [hbm4b:s25+s3], $0x40, $0x38;
	[tilespmem:$0x1C400] =	vst v63  }
0x79: {  	_ =	swait.ge [sflag:s7], $0x40  }
0x7a: {  	[sflag:s7] =	ssyncset.done $0x0  }
0x7b: {  	[sflag:s7] =	ssyncadd.s32 $0xFFFFFFC0;
	s7 =	simm.s32 $0x400  }
0x7c: {  	[tilespmem:s7], [sflag:$0x9] =	stream.indirect.gather [hbm4b:s6+s23], $0x80, s3, s23, $0xb8;
	[tilespmem:$0x1C400] =	vst v63  }
0x7d: {  	_ =	swait.ge [sflag:s30], $0x40  }
0x7e: {  	[sflag:s30] =	ssyncset.done $0x0  }
0x7f: {  	s19 =	simm.s32 $0x2400;
	s24 =	simm.s32 $0x80;
	[sflag:s30] =	ssyncadd.s32 $0xFFFFFFC0  }
0x80: {  	[tilespmem:s19], [sflag:$0xA] =	stream.indirect.gather [hbm4b:s6+s23], $0x80, s24, s23, $0xb8;
	[tilespmem:$0x1C400] =	vst v63  }
0x81: {  	_ =	swait.ge [sflag:s0], $0x40  }
0x82: {  	[sflag:s0] =	ssyncset.done $0x0  }
0x83: {  	s25 =	simm.s32 $0x4400;
	[sflag:s0] =	ssyncadd.s32 $0xFFFFFFC0  }
0x84: {  	[tilespmem:s25], [sflag:$0xB] =	stream.indirect.gather [hbm4b:s6+s23], $0x80, s28, s23, $0xb8;
	[tilespmem:$0x1C400] =	vst v63  }
0x85: {  	_ =	swait.ge [sflag:s31], $0x40  }
0x86: {  	[sflag:s31] =	ssyncset.done $0x0  }
0x87: {  	s28 =	simm.s32 $0x6400;
	[sflag:s31] =	ssyncadd.s32 $0xFFFFFFC0  }
0x88: {  	[tilespmem:s28], [sflag:$0xC] =	stream.indirect.gather [hbm4b:s6+s23], $0x80, s2, s23, $0xb8;
	[tilespmem:$0x1C400] =	vst v63  }
0x89: {  	_ =	swait.ge [sflag:s29], $0x2000  }
0x8a: {  	[sflag:s29] =	ssyncset.done $0x0  }
0x8b: {  	[sflag:s29] =	ssyncadd.s32 $0xFFFFE000  }
0x8c: {  	_ =	swait.ge [sflag:s10], $0x40  }
0x8d: {  	[sflag:s10] =	ssyncset.done $0x0  }
0x8e: {  	[sflag:s10] =	ssyncadd.s32 $0xFFFFFFC0  }
0x8f: {  	s2 =	rddreg [dreg:$0x1]  }
0x90: {  	[spmem:s2] =	stream.indirect.scatter.add.f32 [tilespmem:s7], [sflag:$0xD], $0x80, s26, s23, $0xb8;
	[tilespmem:$0x1C400] =	vst v63  }
0x91: {  	s26 =	rddreg [dreg:$0x1];
	_ =	swait.ge [sflag:s11], $0x2000  }
0x92: {  	[sflag:s11] =	ssyncset.done $0x0  }
0x93: {  	[sflag:s11] =	ssyncadd.s32 $0xFFFFE000  }
0x94: {  	_ =	swait.ge [sflag:s8], $0x40  }
0x95: {  	[sflag:s8] =	ssyncset.done $0x0  }
0x96: {  	[sflag:s8] =	ssyncadd.s32 $0xFFFFFFC0  }
0x97: {  	[spmem:s26] =	stream.indirect.scatter.add.f32 [tilespmem:s19], [sflag:$0xE], $0x80, s20, s23, $0xb8;
	[tilespmem:$0x1C400] =	vst v63  }
0x98: {  	_ =	swait.ge [sflag:s13], $0x2000  }
0x99: {  	[sflag:s13] =	ssyncset.done $0x0  }
0x9a: {  	[sflag:s13] =	ssyncadd.s32 $0xFFFFE000  }
0x9b: {  	_ =	swait.ge [sflag:s9], $0x40  }
0x9c: {  	[sflag:s9] =	ssyncset.done $0x0  }
0x9d: {  	[sflag:s9] =	ssyncadd.s32 $0xFFFFFFC0  }
0x9e: {  	[spmem:s26] =	stream.indirect.scatter.add.f32 [tilespmem:s25], [sflag:$0xF], $0x80, s21, s23, $0xb8;
	[tilespmem:$0x1C400] =	vst v63  }
0x9f: {  	_ =	swait.ge [sflag:s14], $0x2000  }
0xa0: {  	[sflag:s14] =	ssyncset.done $0x0  }
0xa1: {  	[sflag:s14] =	ssyncadd.s32 $0xFFFFE000  }
0xa2: {  	_ =	swait.ge [sflag:s12], $0x40  }
0xa3: {  	[sflag:s12] =	ssyncset.done $0x0  }
0xa4: {  	[sflag:s12] =	ssyncadd.s32 $0xFFFFFFC0  }
0xa5: {  	[spmem:s26] =	stream.indirect.scatter.add.f32 [tilespmem:s28], [sflag:$0x10], $0x80, s1, s23, $0xb8;
	[tilespmem:$0x1C400] =	vst v63  }
0xa6: {  	_ =	swait.ge [sflag:s15], $0x2000  }
0xa7: {  	[sflag:s15] =	ssyncset.done $0x0  }
0xa8: {  	[sflag:s15] =	ssyncadd.s32 $0xFFFFE000  }
0xa9: {  	_ =	swait.ge [sflag:s16], $0x2000  }
0xaa: {  	[sflag:s16] =	ssyncset.done $0x0  }
0xab: {  	p1 =	sne.s32 s18, $0x1;
	[sflag:s16] =	ssyncadd.s32 $0xFFFFE000  }
.Ltmp2:
0xac: {  	_ =	swait.ge [sflag:s22], $0x2000;
	(pc) =	sbr.rel @p1 .LBB2_4-.Ltmp2, $4  }
0xad: {  	[sflag:s22] =	ssyncset.done $0x0  }
0xae: {  	s21 =	simm.s32 $0x10;
	[sflag:s22] =	ssyncadd.s32 $0xFFFFE000  }
0xaf: {  	_ =	swait.ge [sflag:s21], $0x2000  }
0xb0: {  	s18 =	sadd.s32 $0xFFFFFFFF, s18;
	s17 =	sadd.s32 $0x20, s17;
	[sflag:s21] =	ssyncset.done $0x0  }
0xb1: {  	s1 =	rddreg [dreg:$0x4];
	s22 =	simm.s32 $0x1  }
0xb2: {  	s28 =	simm.s32 $0x3;
	s10 =	simm.s32 $0x2400;
	s2 =	simm.s32 $0x7  }
0xb3: {  	s8 =	simm.s32 $0x4;
	s11 =	simm.s32 $0xB;
	s9 =	simm.s32 $0x6  }
0xb4: {  	s13 =	simm.s32 $0xC;
	s12 =	simm.s32 $0x8;
	s14 =	simm.s32 $0xD  }
0xb5: {  	s15 =	simm.s32 $0xE;
	s16 =	simm.s32 $0xF;
	s30 =	rddreg [dreg:$0xa]  }
.LBB2_6:
0xb6: {  	s25 =	simm.s32 $0x10  }
0xb7: {  	s18 =	sadd.s32 s17, s4;
	s19 =	sor.u32 $0x8, s17;
	[sflag:s25] =	ssyncadd.s32 @p0 $0xFFFFE000  }
0xb8: {  	[tilespmem:s3], [sflag:$0x1] =	stream.linear.gather [hbm4b:s18+s3], $0x40, $0x38;
	[tilespmem:$0x1C400] =	vst v63  }
0xb9: {  	s20 =	sor.u32 $0x10, s17;
	s24 =	simm.s32 $0x80;
	s0 =	sadd.s32 s4, s19  }
0xba: {  	[tilespmem:s24], [sflag:$0x3] =	stream.linear.gather [hbm4b:s0+s3], $0x40, $0x38;
	[tilespmem:$0x1C400] =	vst v63  }
0xbb: {  	s21 =	sor.u32 $0x18, s17;
	s26 =	simm.s32 $0x100;
	s7 =	sadd.s32 s4, s20  }
0xbc: {  	[tilespmem:s26], [sflag:$0x5] =	stream.linear.gather [hbm4b:s7+s3], $0x40, $0x38;
	[tilespmem:$0x1C400] =	vst v63  }
0xbd: {  	s0 =	sadd.s32 s4, s21;
	s26 =	simm.s32 $0x180  }
0xbe: {  	[tilespmem:s26], [sflag:$0x7] =	stream.linear.gather [hbm4b:s0+s3], $0x40, $0x38;
	[tilespmem:$0x1C400] =	vst v63  }
0xbf: {  	s18 =	simm.s32 $0x200;
	s7 =	sadd.s32 s17, s5  }
0xc0: {  	[tilespmem:s18], [sflag:$0x2] =	stream.linear.gather [hbm4b:s7+s3], $0x40, $0x38;
	[tilespmem:$0x1C400] =	vst v63  }
0xc1: {  	s31 =	simm.s32 $0x280;
	s19 =	sadd.s32 s5, s19  }
0xc2: {  	[tilespmem:s31], [sflag:$0x4] =	stream.linear.gather [hbm4b:s19+s3], $0x40, $0x38;
	[tilespmem:$0x1C400] =	vst v63  }
0xc3: {  	s29 =	simm.s32 $0x300;
	s0 =	sadd.s32 s5, s20  }
0xc4: {  	[tilespmem:s29], [sflag:$0x6] =	stream.linear.gather [hbm4b:s0+s3], $0x40, $0x38;
	[tilespmem:$0x1C400] =	vst v63  }
0xc5: {  	s7 =	sadd.s32 s5, s21;
	s19 =	simm.s32 $0x380  }
0xc6: {  	[tilespmem:s19], [sflag:$0x8] =	stream.linear.gather [hbm4b:s7+s3], $0x40, $0x38;
	[tilespmem:$0x1C400] =	vst v63  }
0xc7: {  	_ =	swait.ge [sflag:s22], $0x40  }
0xc8: {  	[sflag:s22] =	ssyncset.done $0x0  }
0xc9: {  	s29 =	simm.s32 $0x400;
	[sflag:s22] =	ssyncadd.s32 $0xFFFFFFC0  }
0xca: {  	[tilespmem:s29], [sflag:$0x9] =	stream.indirect.gather [hbm4b:s6+s23], $0x80, s3, s23, $0xb8;
	[tilespmem:$0x1C400] =	vst v63  }
0xcb: {  	_ =	swait.ge [sflag:s28], $0x40  }
0xcc: {  	[sflag:s28] =	ssyncset.done $0x0  }
0xcd: {  	s0 =	simm.s32 $0x5;
	[sflag:s28] =	ssyncadd.s32 $0xFFFFFFC0  }
0xce: {  	[tilespmem:s10], [sflag:$0xA] =	stream.indirect.gather [hbm4b:s6+s23], $0x80, s24, s23, $0xb8;
	[tilespmem:$0x1C400] =	vst v63  }
0xcf: {  	_ =	swait.ge [sflag:s0], $0x40  }
0xd0: {  	[sflag:s0] =	ssyncset.done $0x0  }
0xd1: {  	s31 =	simm.s32 $0x4400;
	s24 =	simm.s32 $0x100;
	[sflag:s0] =	ssyncadd.s32 $0xFFFFFFC0  }
0xd2: {  	[tilespmem:s31], [sflag:$0xB] =	stream.indirect.gather [hbm4b:s6+s23], $0x80, s24, s23, $0xb8;
	[tilespmem:$0x1C400] =	vst v63  }
0xd3: {  	_ =	swait.ge [sflag:s2], $0x40  }
0xd4: {  	[sflag:s2] =	ssyncset.done $0x0  }
0xd5: {  	s7 =	simm.s32 $0x6400;
	s10 =	simm.s32 $0x9;
	[sflag:s2] =	ssyncadd.s32 $0xFFFFFFC0  }
0xd6: {  	[tilespmem:s7], [sflag:$0xC] =	stream.indirect.gather [hbm4b:s6+s23], $0x80, s26, s23, $0xb8;
	[tilespmem:$0x1C400] =	vst v63  }
0xd7: {  	s26 =	rddreg [dreg:$0x1];
	_ =	swait.ge [sflag:s10], $0x2000  }
0xd8: {  	[sflag:s10] =	ssyncset.done $0x0  }
0xd9: {  	s17 =	simm.s32 $0x2;
	[sflag:s10] =	ssyncadd.s32 $0xFFFFE000  }
0xda: {  	_ =	swait.ge [sflag:s17], $0x40  }
0xdb: {  	[sflag:s17] =	ssyncset.done $0x0  }
0xdc: {  	s24 =	simm.s32 $0xA;
	[sflag:s17] =	ssyncadd.s32 $0xFFFFFFC0  }
0xdd: {  	[spmem:s26] =	stream.indirect.scatter.add.f32 [tilespmem:s29], [sflag:$0xD], $0x80, s18, s23, $0xb8;
	[tilespmem:$0x1C400] =	vst v63  }
0xde: {  	_ =	swait.ge [sflag:s24], $0x2000  }
0xdf: {  	[sflag:s24] =	ssyncset.done $0x0  }
0xe0: {  	[sflag:s24] =	ssyncadd.s32 $0xFFFFE000  }
0xe1: {  	_ =	swait.ge [sflag:s8], $0x40  }
0xe2: {  	[sflag:s8] =	ssyncset.done $0x0  }
0xe3: {  	s20 =	simm.s32 $0x280;
	s10 =	simm.s32 $0x2400;
	[sflag:s8] =	ssyncadd.s32 $0xFFFFFFC0  }
0xe4: {  	[spmem:s26] =	stream.indirect.scatter.add.f32 [tilespmem:s10], [sflag:$0xE], $0x80, s20, s23, $0xb8;
	[tilespmem:$0x1C400] =	vst v63  }
0xe5: {  	_ =	swait.ge [sflag:s11], $0x2000  }
0xe6: {  	[sflag:s11] =	ssyncset.done $0x0  }
0xe7: {  	[sflag:s11] =	ssyncadd.s32 $0xFFFFE000  }
0xe8: {  	_ =	swait.ge [sflag:s9], $0x40  }
0xe9: {  	[sflag:s9] =	ssyncset.done $0x0  }
0xea: {  	s21 =	simm.s32 $0x300;
	[sflag:s9] =	ssyncadd.s32 $0xFFFFFFC0  }
0xeb: {  	[spmem:s26] =	stream.indirect.scatter.add.f32 [tilespmem:s31], [sflag:$0xF], $0x80, s21, s23, $0xb8;
	[tilespmem:$0x1C400] =	vst v63  }
0xec: {  	_ =	swait.ge [sflag:s13], $0x2000  }
0xed: {  	[sflag:s13] =	ssyncset.done $0x0  }
0xee: {  	[sflag:s13] =	ssyncadd.s32 $0xFFFFE000  }
0xef: {  	_ =	swait.ge [sflag:s12], $0x40  }
0xf0: {  	[sflag:s12] =	ssyncset.done $0x0  }
0xf1: {  	[sflag:s12] =	ssyncadd.s32 $0xFFFFFFC0  }
0xf2: {  	[spmem:s26] =	stream.indirect.scatter.add.f32 [tilespmem:s7], [sflag:$0x10], $0x80, s19, s23, $0xb8;
	[tilespmem:$0x1C400] =	vst v63  }
0xf3: {  	_ =	swait.ge [sflag:s14], $0x2000  }
0xf4: {  	[sflag:s14] =	ssyncset.done $0x0  }
0xf5: {  	[sflag:s14] =	ssyncadd.s32 $0xFFFFE000  }
0xf6: {  	_ =	swait.ge [sflag:s15], $0x2000  }
0xf7: {  	[sflag:s15] =	ssyncset.done $0x0  }
0xf8: {  	[sflag:s15] =	ssyncadd.s32 $0xFFFFE000  }
0xf9: {  	_ =	swait.ge [sflag:s16], $0x2000  }
0xfa: {  	[sflag:s16] =	ssyncset.done $0x0  }
0xfb: {  	[sflag:s16] =	ssyncadd.s32 $0xFFFFE000  }
0xfc: {  	_ =	swait.ge [sflag:s25], $0x2000  }
0xfd: {  	[sflag:s25] =	ssyncset.done $0x0  }
0xfe: {  	[sflag:s25] =	ssyncadd.s32 $0xFFFFE000  }
0xff: {  	[bflag:$0x0] =	sbarrier.arrive $0xFFFF  }
0x100: {  	s29 =	rddreg [dreg:$0x6]  }
0x101: {  	s19 =	simm.s32 $0x11;
	s18 =	rddreg [dreg:$0x9]  }
0x102: {  	[hbm:s29], [sflag:s1] =	dma.local [spmem:s18], $0x2800  }
0x103: {  	_ =	swait.ge [sflag:s19], $0x2800  }
0x104: {  	s30 =	sadd.s32 $0x1, s30;
	s31 =	rddreg [dreg:$0x7]  }
0x105: {  	p0 =	sne.s32 s30, s31  }
.Ltmp3:
0x106: {  	_ = 	snop;
	(pc) =	sbr.rel @p0 .LBB2_1-.Ltmp3, $4  }
.Ltmp4:
0x107: {  	_ = 	snop;
	(pc) =	sbr.rel @!p0 .LBB2_7-.Ltmp4, $4  }
0x108: {  	_ = 	snop  }
0x109: {  	[sflag:s19] =	ssyncset.done $0x0  }
0x10a: {  	[sflag:s19] =	ssyncadd.s32 $0xFFFFD800  }
0x10b: {  	_ = 	snop  }
.LBB2_3:
.Ltmp5:
0x10c: {  	s1 =	rddreg [dreg:$0x4];
	s22 =	simm.s32 $0x1;
	(pc) =	sbr.rel .LBB2_6-.Ltmp5, $4  }
0x10d: {  	s28 =	simm.s32 $0x3;
	s10 =	simm.s32 $0x2400;
	s2 =	simm.s32 $0x7  }
0x10e: {  	s8 =	simm.s32 $0x4;
	s11 =	simm.s32 $0xB;
	s9 =	simm.s32 $0x6  }
0x10f: {  	s13 =	simm.s32 $0xC;
	s12 =	simm.s32 $0x8;
	s14 =	simm.s32 $0xD  }
0x110: {  	s15 =	simm.s32 $0xE;
	s16 =	simm.s32 $0xF;
	s30 =	rddreg [dreg:$0xa]  }
.LBB2_7:
0x111: {  	_ =	sfence.sel $0x180000  }
0x112: {  	[bflag:$0x0] =	sbarrier.arrive $0xFFFF  }
0x113: {  	_ =	strace $0x9000004A  }
0x114: {  	s0 =	stileid.u32;
	[bflag:$0x2] =	sbarrier.arrive $0xFFFF  }
0x115: {  	p0 =	sne.s32 s0, $0x0;
	s0 =	rddreg [dreg:$0x2]  }
0x116: {  	s0 =	sadd.s32 @!p0 $0x100000, s0  }
0x117: {  	[sflag:s0] =	ssyncadd.tile.s32 @!p0 $0x1;
	_ =	shalt  }
.Lfunc_end2:
_tile_overlayer_lowered:
.L_overlay_start_2:
0x118: {  	(tag) =	ssettag $0x2  }
0x119: {  	s0 =	rddreg [dreg:$0x0];
	s2 =	stileid.u32  }
0x11a: {  	s1 =	rddreg [dreg:$0x1];
	p0 =	sne.s32 s2, $0x0  }
0x11b: {  	s3 =	rddreg [dreg:$0x2];
	[bflag:$0x3] =	sbarrier.arrive $0xFFFF;
	s2 =	simm.s32 @!p0 $0x1C11  }
0x11c: {  	[timem:s3], [sflag:s2] =	dma.local @!p0 [hbm:s0], s1  }
0x11d: {  	s0 =	simm.s32 @!p0 $0x11  }
0x11e: {  	_ =	swait.ge @!p0 [sflag:s0], s1  }
0x11f: {  	s1 =	ssub.s32 @!p0 $0x0, s1;
	[sflag:s0] =	ssyncset.done @!p0 $0x0  }
0x120: {  	[sflag:s0] =	ssyncadd.s32 @!p0 s1  }
0x121: {  	[bflag:$0x3] =	sbarrier.arrive $0xFFFF  }
0x122: {  	_ =	shalt  }

// kernel: kernel.7.cloned.1.call-start
scs
__scs_entry_jumppad:
0x0: {  	(pc) =	sbr.rel $0x88, $3  }
0x1: {  	(tag) =	ssettag $0x0;
	lr =	simm.s32 $0x1  }
0x2: {  	[smem:$0x3F95] =	sst lr;
	_ =	strace $0xD0000000  }
0x3: {  	_ = 	snop  }
0x4: {  	_ = 	snop  }
0x5: {  	_ = 	snop  }
0x6: {  	_ = 	snop  }
0x7: {  	_ = 	snop  }
__scs_overlays_trampoline_lowered:
0x8: {  	[smem:$0x3FA4] =	sst s0  }
0x9: {  	[smem:$0x3FA5] =	sst s1  }
0xa: {  	[smem:$0x3FA6] =	sst s2  }
0xb: {  	[smem:$0x3FA7] =	sst s3  }
0xc: {  	[smem:$0x3FA8] =	sst s4  }
0xd: {  	[smem:$0x3FA9] =	sst s5  }
0xe: {  	[smem:$0x3FAA] =	sst s6  }
0xf: {  	[smem:$0x3FAB] =	sst s7  }
0x10: {  	[smem:$0x3FAC] =	sst s8  }
0x11: {  	[smem:$0x3FAD] =	sst s9;
	s0 =	simm.s32 @!p0 $0x0  }
0x12: {  	s1 =	sld [smem:$0x3F93];
	s0 =	simm.s32 @p0 $0x1  }
0x13: {  	[smem:$0x3FAE] =	sst s0;
	s0 =	simm.s32 @!p1 $0x0  }
0x14: {  	s2 =	sld [smem:$0x3F92];
	s0 =	simm.s32 @p1 $0x1  }
0x15: {  	[smem:$0x3FAF] =	sst s0;
	s0 =	simm.s32 @!p2 $0x0  }
0x16: {  	s3 =	sld [smem:$0x3FDB];
	s0 =	simm.s32 @p2 $0x1  }
0x17: {  	s4 =	simm.s32 $0x1BF5;
	[smem:$0x3FB1] =	sst s0  }
0x18: {  	s0 =	sld [smem:$0x3F94];
	_ =	swait.ge [sflag:s4], $0x0  }
0x19: {  	s7 =	sld [smem:$0x3F95]  }
0x1a: {  	s8 =	sadd.s32 $0xFFFFE003, lr  }
0x1b: {  	s9 =	sadd.s32 $0xFFFFFEF7, lr;
	s5 =	simm.s32 $0xFFFFFFFF;
	p2 =	slt.u32 s8, $0xFFFFF086  }
0x1c: {  	p1 =	slt.u32 s9, $0xF7A;
	s5 =	simm.s32 @!p2 $0x0  }
0x1d: {  	s5 =	simm.s32 @p1 $0x1;
	p0 =	seq.s32 s7, s2  }
0x1e: {  	s7 =	smul.u32 @!p0 $0xF7A, s2;
	p2 =	seq.s32 @!p0 s5, $0x0  }
0x1f: {  	s9 =	smul.u32 $0xF7A, s1;
	s8 =	simm.s32 @!p0 $0x1BF5;
	p2 =	por !p2, p0  }
0x20: {  	[sflag:s8] =	ssyncset.s32 @!p0 $0xFFFFF086;
	s6 =	sadd.s32 @!p0 s3, s7;
	s7 =	simm.s32 @!p0 $0x108  }
0x21: {  	s3 =	sadd.s32 s3, s9;
	s6 =	sadd.s32 @!p0 $0x88, s6;
	s7 =	simm.s32 @p2 $0x1082  }
0x22: {  	[simem:s7], [sflag:s8] =	dma.local @!p0 [hbm:s6], $0xF7A  }
0x23: {  	s9 =	sor.u32 $0xD0000000, s2;
	s6 =	simm.s32 $0x108;
	_ =	swait.ge @!p0 [sflag:s8], $0x0  }
0x24: {  	s3 =	sadd.s32 $0x88, s3;
	s6 =	simm.s32 @!p1 $0x1082;
	[sflag:s4] =	ssyncset.s32 $0xFFFFF086  }
0x25: {  	[simem:s6], [sflag:s4] =	dma.local [hbm:s3], $0xF7A  }
0x26: {  	[smem:$0x3F95] =	sst s1;
	(tag) =	ssettag s2;
	_ =	strace s9  }
0x27: {  	s1 =	sld [smem:$0x3FA5]  }
0x28: {  	s2 =	sld [smem:$0x3FA6]  }
0x29: {  	s4 =	sld [smem:$0x3FA8]  }
0x2a: {  	p0 =	seq.s32 s5, $0x0;
	s5 =	sld [smem:$0x3FA9]  }
0x2b: {  	s6 =	sld [smem:$0x3FAA]  }
0x2c: {  	s7 =	sld [smem:$0x3FAB]  }
0x2d: {  	s3 =	simm.s32 $0x108;
	s8 =	sld [smem:$0x3FAC]  }
0x2e: {  	s3 =	simm.s32 @!p0 $0x1082;
	s9 =	sld [smem:$0x3FAD]  }
0x2f: {  	lr =	sadd.s32 s0, s3;
	s0 =	sld [smem:$0x3FA4]  }
0x30: {  	s3 =	sld [smem:$0x3FA7]  }
0x31: {  	[smem:$0x3FB0] =	sst s10  }
0x32: {  	s10 =	sld [smem:$0x3FAE];
	_ =	sdelay $0x3  }
0x33: {  	p0 =	seq.s32 s10, $0x1;
	s10 =	sld [smem:$0x3FB0];
	_ =	sdelay $0x3  }
0x34: {  	[smem:$0x3FB0] =	sst s10  }
0x35: {  	s10 =	sld [smem:$0x3FAF];
	_ =	sdelay $0x3  }
0x36: {  	p1 =	seq.s32 s10, $0x1;
	s10 =	sld [smem:$0x3FB0];
	_ =	sdelay $0x3  }
0x37: {  	[smem:$0x3FB0] =	sst s10  }
0x38: {  	s10 =	sld [smem:$0x3FB1]  }
0x39: {  	_ = 	snop;
	(pc) =	sbr.ind lr, $3  }
0x3a: {  	_ = 	snop  }
0x3b: {  	_ = 	snop  }
0x3c: {  	p2 =	seq.s32 s10, $0x1;
	s10 =	sld [smem:$0x3FB0]  }
0x3d: {  	_ =	shalt  }
0x3e: {  	_ =	shalt  }
0x3f: {  	_ =	shalt  }
0x40: {  	_ =	shalt  }
0x41: {  	_ =	shalt  }
0x42: {  	_ =	shalt  }
0x43: {  	_ =	shalt  }
0x44: {  	_ =	shalt  }
0x45: {  	_ =	shalt  }
0x46: {  	_ =	shalt  }
0x47: {  	_ =	shalt  }
0x48: {  	_ =	shalt  }
0x49: {  	_ =	shalt  }
0x4a: {  	_ =	shalt  }
0x4b: {  	_ =	shalt  }
0x4c: {  	_ =	shalt  }
0x4d: {  	_ =	shalt  }
0x4e: {  	_ =	shalt  }
0x4f: {  	_ =	shalt  }
0x50: {  	_ =	shalt  }
0x51: {  	_ =	shalt  }
0x52: {  	_ =	shalt  }
0x53: {  	_ =	shalt  }
0x54: {  	_ =	shalt  }
0x55: {  	_ =	shalt  }
0x56: {  	_ =	shalt  }
0x57: {  	_ =	shalt  }
0x58: {  	_ =	shalt  }
0x59: {  	_ =	shalt  }
0x5a: {  	_ =	shalt  }
0x5b: {  	_ =	shalt  }
0x5c: {  	_ =	shalt  }
0x5d: {  	_ =	shalt  }
0x5e: {  	_ =	shalt  }
0x5f: {  	_ =	shalt  }
0x60: {  	_ =	shalt  }
0x61: {  	_ =	shalt  }
0x62: {  	_ =	shalt  }
0x63: {  	_ =	shalt  }
0x64: {  	_ =	shalt  }
0x65: {  	_ =	shalt  }
0x66: {  	_ =	shalt  }
0x67: {  	_ =	shalt  }
0x68: {  	_ =	shalt  }
0x69: {  	_ =	shalt  }
0x6a: {  	_ =	shalt  }
0x6b: {  	_ =	shalt  }
0x6c: {  	_ =	shalt  }
0x6d: {  	_ =	shalt  }
0x6e: {  	_ =	shalt  }
0x6f: {  	_ =	shalt  }
0x70: {  	_ =	shalt  }
0x71: {  	_ =	shalt  }
0x72: {  	_ =	shalt  }
0x73: {  	_ =	shalt  }
0x74: {  	_ =	shalt  }
0x75: {  	_ =	shalt  }
0x76: {  	_ =	shalt  }
0x77: {  	_ =	shalt  }
0x78: {  	_ =	shalt  }
0x79: {  	_ =	shalt  }
0x7a: {  	_ =	shalt  }
0x7b: {  	_ =	shalt  }
0x7c: {  	_ =	shalt  }
0x7d: {  	_ =	shalt  }
0x7e: {  	_ =	shalt  }
0x7f: {  	_ =	shalt  }
0x80: {  	_ =	shalt  }
0x81: {  	_ =	shalt  }
0x82: {  	_ =	shalt  }
0x83: {  	_ =	shalt  }
0x84: {  	_ =	shalt  }
0x85: {  	_ =	shalt  }
0x86: {  	_ =	shalt  }
0x87: {  	_ =	shalt  }
.Lfunc_end0:
.L_simem_size_0:
called_computation_lowered:
.L_overlay_start_0:
0x88: {  	s2 =	sld [smem:$0x3FD9]  }
0x89: {  	s3 =	sld [smem:$0x3FFE];
	_ =	sdelay $0x1  }
0x8a: {  	s1 =	srdreg.scid  }
0x8b: {  	s0 =	sand.u32 $0x1, s1  }
0x8c: {  	s16 =	sshll.u32 s0, $0xA;
	s2 =	sadd.s32 s3, s2  }
0x8d: {  	s2 =	sadd.s32 s2, s16  }
0x8e: {  	[smem:$0x3FBC] =	sst s2  }
0x8f: {  	_ = 	snop  }
0x90: {  	(tm) =	ssettm $0x1  }
0x91: {  	s17 =	sld [smem:$0x3FFB];
	_ =	sdelay $0x3  }
0x92: {  	_ =	strace s17  }
0x93: {  	s2 =	sld [smem:$0x3FFC];
	_ =	sdelay $0x3  }
0x94: {  	_ =	strace s2  }
0x95: {  	s2 =	sld [smem:$0x3FFD];
	_ =	sdelay $0x3  }
0x96: {  	_ =	strace s2  }
0x97: {  	_ =	strace $0x8FFFFFFF  }
0x98: {  	s18 =	sld [smem:$0x3FDB];
	_ =	sdelay $0x1  }
0x99: {  	s19 =	simm.s32 $_scs_section_size  }
0x9a: {  	s4 =	simm.s32 $_size__tile_overlayer_lowered;
	s5 =	simm.s32 $_tile_overlayer_lowered  }
0x9b: {  	s22 =	simm.s32 $0x1BFF;
	s21 =	sshll.u32 s5, $0x1;
	s2 =	sadd.s32 s19, s18  }
0x9c: {  	s6 =	simm.s32 $0x0;
	s20 =	sshll.u32 s4, $0x1;
	s4 =	sadd.s32 s21, s2  }
0x9d: {  	[timem:s6], [sflag:s22] =	dma.local [hbm:s4], s20  }
0x9e: {  	_ =	swait.ge [sflag:s22], s20  }
0x9f: {  	s3 =	ssub.s32 $0x0, s20;
	[sflag:s22] =	ssyncset.done $0x0  }
0xa0: {  	[sflag:s22] =	ssyncadd.s32 s3;
	_ =	sdelay $0x1  }
0xa1: {  	s23 =	simm.s32 $0x1B8B  }
0xa2: {  	_ =	swait.ge [sflag:s23], $0x1  }
0xa3: {  	[sflag:s23] =	ssyncset.done $0x0  }
0xa4: {  	s25 =	simm.s32 $0x1B8E;
	s24 =	sld [smem:$0x3FFE];
	[sflag:s23] =	ssyncadd.s32 $0xFFFFFFFF  }
0xa5: {  	s26 =	simm.s32 $execute0_lowered;
	[smem:$0x3FD2] =	sst s25  }
0xa6: {  	s4 =	sshll.u32 s26, $0x1;
	_ =	strace $0x80000046;
	[dreg:$0x1] =	wrdreg $0xFFFFFFFF  }
0xa7: {  	s28 =	simm.s32 $_size_execute0_lowered;
	s2 =	sadd.s32 s2, s4;
	[dreg:$0x0] =	wrdreg $0x0  }
0xa8: {  	s4 =	sshll.u32 s28, $0x1;
	[dreg:$0x2] =	wrdreg s2  }
0xa9: {  	[dreg:$0x3] =	wrdreg s4  }
0xaa: {  	[dreg:$0x4] =	wrdreg $0xC0  }
0xab: {  	_ =	task [dreg:s6], $0x5FFFF  }
0xac: {  	[dreg:$0x1] =	wrdreg $0xFFFFFFFF  }
0xad: {  	[dreg:$0x0] =	wrdreg $0x60  }
0xae: {  	[dreg:$0x2] =	wrdreg s24  }
0xaf: {  	[dreg:$0x3] =	wrdreg $0x41000  }
0xb0: {  	[dreg:$0x4] =	wrdreg $0x9  }
0xb1: {  	_ =	task.clear_ibuf [dreg:s6], $0x5FFFF;
	_ =	strace $0x90000046  }
0xb2: {  	s29 =	simm.s32 $0x9;
	_ =	strace $0x80000048  }
0xb3: {  	_ =	swait.ge [sflag:s29], $0x1  }
0xb4: {  	[sflag:s29] =	ssyncadd.s32 $0xFFFFFFFF  }
0xb5: {  	_ =	strace $0x90000048  }
0xb6: {  	_ =	sfence  }
0xb7: {  	s30 =	sld [smem:$0x0];
	_ =	sdelay $0x2  }
0xb8: {  	s31 =	sshll.u32 s1, $0xD;
	s1 =	sshrl.u32 s1, $0x2  }
0xb9: {  	s3 =	sand.u32 $0x4000, s31;
	s1 =	sadd.s32 s1, s30  }
0xba: {  	s0 =	sor.u32 s3, s0;
	s1 =	sshll.u32 s1, $0x11  }
0xbb: {  	s0 =	sor.u32 s1, s0  }
0xbc: {  	s0 =	sadd.s32 $0x8F2B, s0  }
0xbd: {  	[sflag:s0] =	ssyncadd.remote.s32 $0x1  }
0xbe: {  	_ =	sfence.sel $0xFFFF  }
0xbf: {  	[dreg:$0x0] =	wrdreg $0xFFFFFFFF;
	(pc) =	sbr.abs _section_cstart, $3  }
0xc0: {  	[dreg:$0x1] =	wrdreg $0xFFFFFFFF  }
0xc1: {  	_ =	task.clear_ibuf [dreg:s6], $0x2FFFF;
	_ =	strace $0x9FFFFFFF  }
0xc2: {  	(tm) =	ssettm $0x7FFFFFFF  }
0xc3: {  	_ =	shalt  }
tec
execute0_lowered:
.L_overlay_start_1:
0x0: {  	(tag) =	ssettag $0x1  }
0x1: {  	s6 =	rddreg [dreg:$0x0]  }
0x2: {  	s2 =	rddreg [dreg:$0x1]  }
0x3: {  	s0 =	srdreg.scid;
	s1 =	rddreg [dreg:$0x2];
	s3 =	simm.s32 $0x0  }
0x4: {  	s13 =	simm.s32 $0x80;
	s14 =	simm.s32 $0x1;
	s5 =	sand.u32 $0x1, s0  }
0x5: {  	s15 =	simm.s32 $0x2;
	s0 =	stileid.u32;
	s4 =	smul.u32 $0x28000, s5  }
0x6: {  	s16 =	simm.s32 $0x3;
	s17 =	simm.s32 $0x4;
	s7 =	smul.u32 $0x2800, s0  }
0x7: {  	s18 =	simm.s32 $0x0;
	[smem:$0x7FF] =	sst s3;
	s26 =	smul.u32 $0x140000, s5  }
0x8: {  	s8 =	smul.u32 $0x14000, s0;
	_ =	strace $0x80000047;
	s28 =	ssub.s32 $0x2, s5  }
0x9: {  	s10 =	smul.u32 $0x50000, s0;
	s5 =	sadd.s32 $0xBA00, s6;
	s31 =	sshll.u32 s0, $0x6  }
0xa: {  	s11 =	sshrl.u32 s28, $0x1;
	s4 =	sadd.s32 s7, s4;
	s7 =	sadd.s32 s8, s26  }
0xb: {  	s29 =	ssub.s32 s28, s11;
	s30 =	sshrl.u32 s10, $0x2;
	s10 =	simm.s32 $0x5  }
0xc: {  	s11 =	sor.u32 $0x1C05, s31;
	s4 =	sshrl.u32 s4, $0x3;
	s7 =	sshrl.u32 s7, $0x3  }
0xd: {  	s12 =	sadd.s32 s30, s2;
	s9 =	sadd.s32 s4, s6;
	s4 =	sadd.s32 $0xE200, s6  }
0xe: {  	s6 =	sadd.s32 s7, s6;
	s7 =	smax.u32 s29, $0x1;
	s12 =	sshrl.u32 s12, $0x3  }
0xf: {  	s6 =	sadd.s32 $0xEA00, s6;
	s8 =	sadd.s32 $0x1A00, s9;
	s9 =	simm.s32 $0x100  }
.LBB2_1:
0x10: {  	[tilespmem:s9], [sflag:$0x5] =	stream.linear.gather [hbm4b:s4+s3], $0x4000, $0x38;
	[tilespmem:$0x18100] =	vst v63  }
0x11: {  	_ =	swait.ge [sflag:s10], $0x4000  }
0x12: {  	[sflag:s10] =	ssyncset.done $0x0  }
0x13: {  	[sflag:s10] =	ssyncadd.s32 $0xFFFFC000  }
0x14: {  	[spmem:s12], [sflag:s11] =	dma.local [hbm:s5], $0x2800  }
0x15: {  	_ =	swait.ge [sflag:s10], $0x2800  }
0x16: {  	[sflag:s10] =	ssyncset.done $0x0  }
0x17: {  	[sflag:s10] =	ssyncadd.s32 $0xFFFFD800  }
0x18: {  	s19 =	sadd.s32 $0x0, s8;
	[bflag:$0x0] =	sbarrier.arrive $0xFFFF  }
0x19: {  	[tilespmem:s3], [sflag:$0x1] =	stream.linear.gather [hbm4b:s19+s3], $0x80, $0x38;
	[tilespmem:$0x18100] =	vst v63  }
0x1a: {  	s19 =	sadd.s32 $0x10, s19  }
0x1b: {  	[tilespmem:s13], [sflag:$0x2] =	stream.linear.gather [hbm4b:s19+s3], $0x80, $0x38;
	[tilespmem:$0x18100] =	vst v63  }
0x1c: {  	_ =	swait.ge [sflag:s14], $0x80  }
0x1d: {  	[sflag:s14] =	ssyncset.done $0x0  }
0x1e: {  	[sflag:s14] =	ssyncadd.s32 $0xFFFFFF80  }
0x1f: {  	[spmem:s2] =	stream.indirect.scatter.add.f32 [tilespmem:s9], [sflag:$0x3], $0x80, s3, s13, $0xb8;
	[tilespmem:$0x18100] =	vst v63  }
0x20: {  	_ =	swait.ge [sflag:s15], $0x80  }
0x21: {  	[sflag:s15] =	ssyncset.done $0x0  }
0x22: {  	[sflag:s15] =	ssyncadd.s32 $0xFFFFFF80  }
0x23: {  	[spmem:s2] =	stream.indirect.scatter.add.f32 [tilespmem:s9], [sflag:$0x4], $0x80, s13, s13, $0xb8;
	[tilespmem:$0x18100] =	vst v63  }
0x24: {  	_ =	swait.ge [sflag:s16], $0x4000  }
0x25: {  	[sflag:s16] =	ssyncset.done $0x0  }
0x26: {  	[sflag:s16] =	ssyncadd.s32 $0xFFFFC000  }
0x27: {  	_ =	swait.ge [sflag:s17], $0x4000  }
0x28: {  	s20 =	simm.s32 $0x40;
	s19 =	simm.s32 $0x20;
	[sflag:s17] =	ssyncset.done $0x0  }
.LBB2_2:
0x29: {  	s21 =	sadd.s32 s19, s8  }
0x2a: {  	[sflag:s17] =	ssyncadd.s32 $0xFFFFC000;
	s19 =	smov.u32 s20;
	s22 =	sadd.s32 $0x20, s20  }
0x2b: {  	[tilespmem:s3], [sflag:$0x1] =	stream.linear.gather [hbm4b:s21+s3], $0x80, $0x38;
	[tilespmem:$0x18100] =	vst v63  }
0x2c: {  	p0 =	sne.s32 s20, $0x4E0;
	s20 =	sadd.s32 $0x10, s21  }
0x2d: {  	[tilespmem:s13], [sflag:$0x2] =	stream.linear.gather [hbm4b:s20+s3], $0x80, $0x38;
	[tilespmem:$0x18100] =	vst v63  }
0x2e: {  	_ =	swait.ge [sflag:s14], $0x80  }
0x2f: {  	[sflag:s14] =	ssyncset.done $0x0  }
0x30: {  	[sflag:s14] =	ssyncadd.s32 $0xFFFFFF80  }
0x31: {  	[spmem:s2] =	stream.indirect.scatter.add.f32 [tilespmem:s9], [sflag:$0x3], $0x80, s3, s13, $0xb8;
	[tilespmem:$0x18100] =	vst v63  }
0x32: {  	_ =	swait.ge [sflag:s15], $0x80  }
0x33: {  	[sflag:s15] =	ssyncset.done $0x0  }
0x34: {  	[sflag:s15] =	ssyncadd.s32 $0xFFFFFF80  }
0x35: {  	[spmem:s2] =	stream.indirect.scatter.add.f32 [tilespmem:s9], [sflag:$0x4], $0x80, s13, s13, $0xb8;
	[tilespmem:$0x18100] =	vst v63  }
.Ltmp0:
0x36: {  	_ =	swait.ge [sflag:s16], $0x4000;
	(pc) =	sbr.rel @p0 .LBB2_2-.Ltmp0, $4  }
0x37: {  	[sflag:s16] =	ssyncset.done $0x0  }
0x38: {  	[sflag:s16] =	ssyncadd.s32 $0xFFFFC000  }
0x39: {  	_ =	swait.ge [sflag:s17], $0x4000  }
0x3a: {  	s20 =	smov.u32 s22;
	[sflag:s17] =	ssyncset.done $0x0  }
0x3b: {  	s19 =	sadd.s32 s19, s8;
	[sflag:s17] =	ssyncadd.s32 $0xFFFFC000  }
0x3c: {  	[tilespmem:s3], [sflag:$0x1] =	stream.linear.gather [hbm4b:s19+s3], $0x80, $0x38;
	[tilespmem:$0x18100] =	vst v63  }
0x3d: {  	s19 =	sadd.s32 $0x10, s19  }
0x3e: {  	[tilespmem:s13], [sflag:$0x2] =	stream.linear.gather [hbm4b:s19+s3], $0x80, $0x38;
	[tilespmem:$0x18100] =	vst v63  }
0x3f: {  	_ =	swait.ge [sflag:s14], $0x80  }
0x40: {  	[sflag:s14] =	ssyncset.done $0x0  }
0x41: {  	[sflag:s14] =	ssyncadd.s32 $0xFFFFFF80  }
0x42: {  	[spmem:s2] =	stream.indirect.scatter.add.f32 [tilespmem:s9], [sflag:$0x3], $0x80, s3, s13, $0xb8;
	[tilespmem:$0x18100] =	vst v63  }
0x43: {  	_ =	swait.ge [sflag:s15], $0x80  }
0x44: {  	[sflag:s15] =	ssyncset.done $0x0  }
0x45: {  	[sflag:s15] =	ssyncadd.s32 $0xFFFFFF80  }
0x46: {  	[spmem:s2] =	stream.indirect.scatter.add.f32 [tilespmem:s9], [sflag:$0x4], $0x80, s13, s13, $0xb8;
	[tilespmem:$0x18100] =	vst v63  }
0x47: {  	_ =	swait.ge [sflag:s16], $0x4000  }
0x48: {  	[sflag:s16] =	ssyncset.done $0x0  }
0x49: {  	[sflag:s16] =	ssyncadd.s32 $0xFFFFC000  }
0x4a: {  	_ =	swait.ge [sflag:s17], $0x4000  }
0x4b: {  	s18 =	sadd.s32 $0x1, s18;
	[sflag:s17] =	ssyncset.done $0x0  }
0x4c: {  	p0 =	sne.s32 s18, s7;
	[sflag:s17] =	ssyncadd.s32 $0xFFFFC000  }
.Ltmp1:
0x4d: {  	[bflag:$0x0] =	sbarrier.arrive $0xFFFF;
	(pc) =	sbr.rel @p0 .LBB2_1-.Ltmp1, $4  }
0x4e: {  	[hbm:s6], [sflag:s11] =	dma.local [spmem:s12], $0x2800  }
0x4f: {  	_ =	swait.ge [sflag:s10], $0x2800  }
0x50: {  	[sflag:s10] =	ssyncset.done $0x0  }
0x51: {  	[sflag:s10] =	ssyncadd.s32 $0xFFFFD800  }
0x52: {  	_ =	sfence.sel $0x180000  }
0x53: {  	[bflag:$0x0] =	sbarrier.arrive $0xFFFF  }
0x54: {  	p0 =	sne.s32 s0, $0x0;
	_ =	strace $0x90000047  }
0x55: {  	s0 =	sadd.s32 @!p0 $0x100000, s1;
	[bflag:$0x2] =	sbarrier.arrive $0xFFFF  }
0x56: {  	[sflag:s0] =	ssyncadd.tile.s32 @!p0 $0x1;
	_ =	shalt  }
.Lfunc_end2:
_tile_overlayer_lowered:
.L_overlay_start_2:
0x57: {  	(tag) =	ssettag $0x2  }
0x58: {  	s0 =	rddreg [dreg:$0x0];
	s2 =	stileid.u32  }
0x59: {  	s1 =	rddreg [dreg:$0x1];
	p0 =	sne.s32 s2, $0x0  }
0x5a: {  	s3 =	rddreg [dreg:$0x2];
	[bflag:$0x3] =	sbarrier.arrive $0xFFFF;
	s2 =	simm.s32 @!p0 $0x1C05  }
0x5b: {  	[timem:s3], [sflag:s2] =	dma.local @!p0 [hbm:s0], s1  }
0x5c: {  	s0 =	simm.s32 @!p0 $0x5  }
0x5d: {  	_ =	swait.ge @!p0 [sflag:s0], s1  }
0x5e: {  	s1 =	ssub.s32 @!p0 $0x0, s1;
	[sflag:s0] =	ssyncset.done @!p0 $0x0  }
0x5f: {  	[sflag:s0] =	ssyncadd.s32 @!p0 s1  }
0x60: {  	[bflag:$0x3] =	sbarrier.arrive $0xFFFF  }
0x61: {  	_ =	shalt  }

</sc_bundles>
